<compile_context>
chip_gen: v7x
topology: tpu7x:2x2x1
jax: 0.10.2.dev20260603
libtpu: 0.0.44.dev20260713+nightly
codegen_flags: <defaults>
</compile_context>

<pallas_src>
import jax
import jax.numpy as jnp
from jax import lax
from jax.experimental import pallas as pl
from jax.experimental.pallas import tpu as pltpu
from jax.experimental.pallas import tpu_sc as plsc

_MAX_DIST = 128
_D = 256
_L = 512
_T_ROWS = 2 * _MAX_DIST + 1

_NC = 2
_NS = 16

_DH = _D // 2
_T16_ROWS = _T_ROWS + 15
_F0_ROWS = 368
_F1_ROWS = 376
_W_ROWS = 1016
_NCLS = 16
_ROWS_PER_CLS = _L // _NCLS


def _body(t16_hbm, f0_hbm, f1_hbm, out_hbm, w_ref, sem):
    wid = lax.axis_index("s") * _NC + lax.axis_index("c")
    h = wid % 2
    c16 = wid // 2

    dh = pl.ds(h * _DH, _DH)

    fills = [
        pltpu.async_copy(f0_hbm.at[:, dh],
                         w_ref.at[pl.ds(0, _F0_ROWS)], sem),
        pltpu.async_copy(t16_hbm.at[c16, :, dh],
                         w_ref.at[pl.ds(_F0_ROWS, _T16_ROWS)], sem),
        pltpu.async_copy(f1_hbm.at[:, dh],
                         w_ref.at[pl.ds(_F0_ROWS + _T16_ROWS, _F1_ROWS)], sem),
    ]
    for f in fills:
        f.wait()

    handles = []
    for t in range(_ROWS_PER_CLS):
        i = c16 + _NCLS * t
        q = (_L - _NCLS) - _NCLS * t
        handles.append(
            pltpu.async_copy(w_ref.at[pl.ds(q, _L)],
                             out_hbm.at[i, :, dh],
                             sem))
    for hd in handles:
        hd.wait()


@jax.jit
def _rpe(table):
    t0 = table[0]
    t256 = table[_T_ROWS - 1]
    base = jnp.concatenate([
        jnp.broadcast_to(t0, (15, _D)),
        table,
        jnp.broadcast_to(t256, (15, _D)),
    ])
    t16 = jnp.stack([
        lax.slice(base, (15 - c_, 0), (15 - c_ + _T16_ROWS, _D))
        for c_ in range(_NCLS)
    ])
    f0 = jnp.broadcast_to(t0, (_F0_ROWS, _D))
    f1 = jnp.broadcast_to(t256, (_F1_ROWS, _D))

    mesh = plsc.VectorSubcoreMesh(core_axis_name="c", subcore_axis_name="s")
    return pl.kernel(
        _body,
        out_type=jax.ShapeDtypeStruct((_L, _L, _D), jnp.float32),
        mesh=mesh,
        scratch_types=[
            pltpu.VMEM((_W_ROWS, _DH), jnp.float32),
            pltpu.SemaphoreType.DMA,
        ],
        compiler_params=pltpu.CompilerParams(use_tc_tiling_on_sc=True),
    )(t16, f0, f1)


def kernel(seq_len, table):
    return _rpe(table)

# --- scband reference (transcript-rebuilt; emitter-appended) ---
"""Pipeline reference for scband-relative-position-encoding-18056042513043 (READ-ONLY COPY).

The authoritative reference and input builder live on the scoring server;
editing this copy changes nothing except your own understanding.
"""

import jax, jax.numpy as jnp
import numpy as np

MAX_DISTANCE = 128
D_MODEL = 256
SEQ_LEN = 512

def setup_inputs(seed: int = 0) -> dict:
    key = jax.random.key(seed)
    table = jax.random.normal(key, (2 * MAX_DISTANCE + 1, D_MODEL), dtype=jnp.float32)
    return {"seq_len": SEQ_LEN, "table": table}

def reference(seq_len, table):
    seq_len = jnp.asarray(seq_len, dtype=jnp.int32)
    pos_ids = jnp.arange(SEQ_LEN, dtype=jnp.int32)[None, :] + seq_len * 0  # [1, L]
    rel_pos = pos_ids - pos_ids.T  # [L, L], rel[i, j] = j - i
    rel_pos = jnp.clip(rel_pos, -MAX_DISTANCE, MAX_DISTANCE)
    rel_pos = rel_pos + MAX_DISTANCE
    return jnp.take(table, rel_pos, axis=0)  # [L, L, d_model]

if __name__ == "__main__":
    import jax
    _d = setup_inputs()
    print(jax.jit(kernel)(*tuple(_d.values())))

</pallas_src>

<mosaic_0001>
#map = affine_map<(d0, d1) -> (0, 0, 0)>
#map1 = affine_map<(d0, d1) -> (0, 0)>
module attributes {stable_mosaic.version = 14 : i64} {
  func.func @_body(%arg0: i32, %arg1: i32, %arg2: memref<16x272x256xf32, #tpu.memory_space<hbm>>, %arg3: memref<368x256xf32, #tpu.memory_space<hbm>>, %arg4: memref<376x256xf32, #tpu.memory_space<hbm>>, %arg5: memref<512x512x256xf32, #tpu.memory_space<hbm>>, %arg6: memref<1016x128xf32, #tpu.memory_space<vmem>>, %arg7: memref<!tpu.dma_semaphore, #tpu.memory_space<semaphore_mem>>) attributes {dimension_semantics = [#tpu.dimension_semantics<core_parallel>, #tpu.dimension_semantics<subcore_parallel>], iteration_bounds = array<i64: 2, 16>, scalar_prefetch = 0 : i64, scratch_operands = 2 : i64, tpu.core_type = #tpu.core_type<sc_vector_subcore>, window_params = [{transform_indices = #map}, {transform_indices = #map1}, {transform_indices = #map1}, {transform_indices = #map}]} {
    %mul3A = arith.constant 2 : i32
    %mul3A_0 = arith.muli %arg1, %mul3A : i32
    %add3A = arith.addi %mul3A_0, %arg0 : i32
    %jit3A = arith.constant 2 : i32
    %eq3A = arith.constant 0 : i32
    %eq3A_1 = arith.cmpi eq, %jit3A, %eq3A : i32
    %jit3A_2 = arith.constant 1 : i32
    %select_n3A = arith.select %eq3A_1, %jit3A_2, %jit3A : i32
    %rem3A = arith.remsi %add3A, %select_n3A : i32
    %ne3A = arith.constant 0 : i32
    %ne3A_3 = arith.cmpi ne, %rem3A, %ne3A : i32
    %lt3A = arith.constant 0 : i32
    %lt3A_4 = arith.cmpi slt, %rem3A, %lt3A : i32
    %lt3A_5 = arith.constant 0 : i32
    %lt3A_6 = arith.cmpi slt, %select_n3A, %lt3A_5 : i32
    %ne3A_7 = arith.xori %lt3A_4, %lt3A_6 : i1
    %and3A = arith.andi %ne3A_7, %ne3A_3 : i1
    %add3A_8 = arith.addi %rem3A, %select_n3A : i32
    %select_n3A_9 = arith.select %and3A, %add3A_8, %rem3A : i32
    %jit3A_10 = arith.constant 2 : i32
    %div3A = arith.divsi %add3A, %jit3A_10 : i32
    %sign3A = arith.constant 0 : i32
    %sign3A_11 = arith.cmpi sgt, %add3A, %sign3A : i32
    %sign3A_12 = arith.extui %sign3A_11 : i1 to i32
    %sign3A_13 = arith.constant 0 : i32
    %sign3A_14 = arith.cmpi slt, %add3A, %sign3A_13 : i32
    %sign3A_15 = arith.extui %sign3A_14 : i1 to i32
    %sign3A_16 = arith.subi %sign3A_12, %sign3A_15 : i32
    %sign3A_17 = arith.constant 0 : i32
    %sign3A_18 = arith.cmpi sgt, %jit3A_10, %sign3A_17 : i32
    %sign3A_19 = arith.extui %sign3A_18 : i1 to i32
    %sign3A_20 = arith.constant 0 : i32
    %sign3A_21 = arith.cmpi slt, %jit3A_10, %sign3A_20 : i32
    %sign3A_22 = arith.extui %sign3A_21 : i1 to i32
    %sign3A_23 = arith.subi %sign3A_19, %sign3A_22 : i32
    %ne3A_24 = arith.cmpi ne, %sign3A_16, %sign3A_23 : i32
    %rem3A_25 = arith.remsi %add3A, %jit3A_10 : i32
    %ne3A_26 = arith.constant 0 : i32
    %ne3A_27 = arith.cmpi ne, %rem3A_25, %ne3A_26 : i32
    %and3A_28 = arith.andi %ne3A_24, %ne3A_27 : i1
    %sub3A = arith.constant 1 : i32
    %sub3A_29 = arith.subi %div3A, %sub3A : i32
    %select_n3A_30 = arith.select %and3A_28, %sub3A_29, %div3A : i32
    %mul3A_31 = arith.constant 128 : i32
    %mul3A_32 = arith.muli %select_n3A_9, %mul3A_31 : i32
    %dma_start3A = arith.constant 0 : i32
    %dma_start3A_33 = arith.constant 0 : i32
    %dma_start3A_34 = tpu.memref_slice %arg6[%dma_start3A, %dma_start3A_33] : memref<1016x128xf32, #tpu.memory_space<vmem>> -> memref<368x128xf32, #tpu.memory_space<vmem>>
    %dma_start3A_35 = arith.constant 0 : i32
    %dma_start3A_36 = tpu.memref_slice %arg3[%dma_start3A_35, %mul3A_32] : memref<368x256xf32, #tpu.memory_space<hbm>> -> memref<368x128xf32, #tpu.memory_space<hbm>>
    %dma_start3A_37 = arith.constant 0 : i32
    %dma_start3A_38 = arith.constant 0 : i32
    %dma_start3A_39 = tpu.memref_slice %arg6[%dma_start3A_37, %dma_start3A_38] : memref<1016x128xf32, #tpu.memory_space<vmem>> -> memref<368x128xf32, #tpu.memory_space<vmem>>
    %dma_start3A_40 = arith.constant 0 : i32
    %dma_start3A_41 = tpu.memref_slice %arg3[%dma_start3A_40, %mul3A_32] : memref<368x256xf32, #tpu.memory_space<hbm>> -> memref<368x128xf32, #tpu.memory_space<hbm>>
    tpu.enqueue_dma source(%dma_start3A_41 : memref<368x128xf32, #tpu.memory_space<hbm>>) target(%dma_start3A_39 : memref<368x128xf32, #tpu.memory_space<vmem>>) target_semaphore(%arg7 : memref<!tpu.dma_semaphore, #tpu.memory_space<semaphore_mem>>)
    %dma_start3A_42 = arith.constant 368 : i32
    %dma_start3A_43 = arith.constant 0 : i32
    %dma_start3A_44 = tpu.memref_slice %arg6[%dma_start3A_42, %dma_start3A_43] : memref<1016x128xf32, #tpu.memory_space<vmem>> -> memref<272x128xf32, #tpu.memory_space<vmem>>
    %dma_start3A_45 = arith.constant 0 : i32
    %dma_start3A_46 = tpu.memref_slice %arg2[%select_n3A_30, %dma_start3A_45, %mul3A_32] : memref<16x272x256xf32, #tpu.memory_space<hbm>> -> memref<1x272x128xf32, #tpu.memory_space<hbm>>
    %dma_start3A_47 = tpu.memref_squeeze %dma_start3A_46 : memref<1x272x128xf32, #tpu.memory_space<hbm>> -> memref<272x128xf32, #tpu.memory_space<hbm>>
    %dma_start3A_48 = arith.constant 368 : i32
    %dma_start3A_49 = arith.constant 0 : i32
    %dma_start3A_50 = tpu.memref_slice %arg6[%dma_start3A_48, %dma_start3A_49] : memref<1016x128xf32, #tpu.memory_space<vmem>> -> memref<272x128xf32, #tpu.memory_space<vmem>>
    %dma_start3A_51 = arith.constant 0 : i32
    %dma_start3A_52 = tpu.memref_slice %arg2[%select_n3A_30, %dma_start3A_51, %mul3A_32] : memref<16x272x256xf32, #tpu.memory_space<hbm>> -> memref<1x272x128xf32, #tpu.memory_space<hbm>>
    %dma_start3A_53 = tpu.memref_squeeze %dma_start3A_52 : memref<1x272x128xf32, #tpu.memory_space<hbm>> -> memref<272x128xf32, #tpu.memory_space<hbm>>
    tpu.enqueue_dma source(%dma_start3A_53 : memref<272x128xf32, #tpu.memory_space<hbm>>) target(%dma_start3A_50 : memref<272x128xf32, #tpu.memory_space<vmem>>) target_semaphore(%arg7 : memref<!tpu.dma_semaphore, #tpu.memory_space<semaphore_mem>>)
    %dma_start3A_54 = arith.constant 640 : i32
    %dma_start3A_55 = arith.constant 0 : i32
    %dma_start3A_56 = tpu.memref_slice %arg6[%dma_start3A_54, %dma_start3A_55] : memref<1016x128xf32, #tpu.memory_space<vmem>> -> memref<376x128xf32, #tpu.memory_space<vmem>>
    %dma_start3A_57 = arith.constant 0 : i32
    %dma_start3A_58 = tpu.memref_slice %arg4[%dma_start3A_57, %mul3A_32] : memref<376x256xf32, #tpu.memory_space<hbm>> -> memref<376x128xf32, #tpu.memory_space<hbm>>
    %dma_start3A_59 = arith.constant 640 : i32
    %dma_start3A_60 = arith.constant 0 : i32
    %dma_start3A_61 = tpu.memref_slice %arg6[%dma_start3A_59, %dma_start3A_60] : memref<1016x128xf32, #tpu.memory_space<vmem>> -> memref<376x128xf32, #tpu.memory_space<vmem>>
    %dma_start3A_62 = arith.constant 0 : i32
    %dma_start3A_63 = tpu.memref_slice %arg4[%dma_start3A_62, %mul3A_32] : memref<376x256xf32, #tpu.memory_space<hbm>> -> memref<376x128xf32, #tpu.memory_space<hbm>>
    tpu.enqueue_dma source(%dma_start3A_63 : memref<376x128xf32, #tpu.memory_space<hbm>>) target(%dma_start3A_61 : memref<376x128xf32, #tpu.memory_space<vmem>>) target_semaphore(%arg7 : memref<!tpu.dma_semaphore, #tpu.memory_space<semaphore_mem>>)
    %dma_wait3A = arith.constant 0 : i32
    %dma_wait3A_64 = arith.constant 0 : i32
    %dma_wait3A_65 = tpu.memref_slice %arg6[%dma_wait3A, %dma_wait3A_64] : memref<1016x128xf32, #tpu.memory_space<vmem>> -> memref<368x128xf32, #tpu.memory_space<vmem>>
    %dma_wait3A_66 = arith.constant 0 : i32
    %dma_wait3A_67 = tpu.memref_slice %arg3[%dma_wait3A_66, %mul3A_32] : memref<368x256xf32, #tpu.memory_space<hbm>> -> memref<368x128xf32, #tpu.memory_space<hbm>>
    %dma_wait3A_68 = arith.constant 0 : i32
    %dma_wait3A_69 = arith.constant 0 : i32
    %dma_wait3A_70 = tpu.memref_slice %arg6[%dma_wait3A_68, %dma_wait3A_69] : memref<1016x128xf32, #tpu.memory_space<vmem>> -> memref<368x128xf32, #tpu.memory_space<vmem>>
    %dma_wait3A_71 = arith.constant 0 : i32
    %dma_wait3A_72 = tpu.memref_slice %arg3[%dma_wait3A_71, %mul3A_32] : memref<368x256xf32, #tpu.memory_space<hbm>> -> memref<368x128xf32, #tpu.memory_space<hbm>>
    tpu.wait_dma2 semaphore(%arg7 : memref<!tpu.dma_semaphore, #tpu.memory_space<semaphore_mem>>) src(%dma_wait3A_72 : memref<368x128xf32, #tpu.memory_space<hbm>>) dst(%dma_wait3A_70 : memref<368x128xf32, #tpu.memory_space<vmem>>)
    %dma_wait3A_73 = arith.constant 368 : i32
    %dma_wait3A_74 = arith.constant 0 : i32
    %dma_wait3A_75 = tpu.memref_slice %arg6[%dma_wait3A_73, %dma_wait3A_74] : memref<1016x128xf32, #tpu.memory_space<vmem>> -> memref<272x128xf32, #tpu.memory_space<vmem>>
    %dma_wait3A_76 = arith.constant 0 : i32
    %dma_wait3A_77 = tpu.memref_slice %arg2[%select_n3A_30, %dma_wait3A_76, %mul3A_32] : memref<16x272x256xf32, #tpu.memory_space<hbm>> -> memref<1x272x128xf32, #tpu.memory_space<hbm>>
    %dma_wait3A_78 = tpu.memref_squeeze %dma_wait3A_77 : memref<1x272x128xf32, #tpu.memory_space<hbm>> -> memref<272x128xf32, #tpu.memory_space<hbm>>
    %dma_wait3A_79 = arith.constant 368 : i32
    %dma_wait3A_80 = arith.constant 0 : i32
    %dma_wait3A_81 = tpu.memref_slice %arg6[%dma_wait3A_79, %dma_wait3A_80] : memref<1016x128xf32, #tpu.memory_space<vmem>> -> memref<272x128xf32, #tpu.memory_space<vmem>>
    %dma_wait3A_82 = arith.constant 0 : i32
    %dma_wait3A_83 = tpu.memref_slice %arg2[%select_n3A_30, %dma_wait3A_82, %mul3A_32] : memref<16x272x256xf32, #tpu.memory_space<hbm>> -> memref<1x272x128xf32, #tpu.memory_space<hbm>>
    %dma_wait3A_84 = tpu.memref_squeeze %dma_wait3A_83 : memref<1x272x128xf32, #tpu.memory_space<hbm>> -> memref<272x128xf32, #tpu.memory_space<hbm>>
    tpu.wait_dma2 semaphore(%arg7 : memref<!tpu.dma_semaphore, #tpu.memory_space<semaphore_mem>>) src(%dma_wait3A_84 : memref<272x128xf32, #tpu.memory_space<hbm>>) dst(%dma_wait3A_81 : memref<272x128xf32, #tpu.memory_space<vmem>>)
    %dma_wait3A_85 = arith.constant 640 : i32
    %dma_wait3A_86 = arith.constant 0 : i32
    %dma_wait3A_87 = tpu.memref_slice %arg6[%dma_wait3A_85, %dma_wait3A_86] : memref<1016x128xf32, #tpu.memory_space<vmem>> -> memref<376x128xf32, #tpu.memory_space<vmem>>
    %dma_wait3A_88 = arith.constant 0 : i32
    %dma_wait3A_89 = tpu.memref_slice %arg4[%dma_wait3A_88, %mul3A_32] : memref<376x256xf32, #tpu.memory_space<hbm>> -> memref<376x128xf32, #tpu.memory_space<hbm>>
    %dma_wait3A_90 = arith.constant 640 : i32
    %dma_wait3A_91 = arith.constant 0 : i32
    %dma_wait3A_92 = tpu.memref_slice %arg6[%dma_wait3A_90, %dma_wait3A_91] : memref<1016x128xf32, #tpu.memory_space<vmem>> -> memref<376x128xf32, #tpu.memory_space<vmem>>
    %dma_wait3A_93 = arith.constant 0 : i32
    %dma_wait3A_94 = tpu.memref_slice %arg4[%dma_wait3A_93, %mul3A_32] : memref<376x256xf32, #tpu.memory_space<hbm>> -> memref<376x128xf32, #tpu.memory_space<hbm>>
    tpu.wait_dma2 semaphore(%arg7 : memref<!tpu.dma_semaphore, #tpu.memory_space<semaphore_mem>>) src(%dma_wait3A_94 : memref<376x128xf32, #tpu.memory_space<hbm>>) dst(%dma_wait3A_92 : memref<376x128xf32, #tpu.memory_space<vmem>>)
    %add3A_95 = arith.constant 0 : i32
    %add3A_96 = arith.addi %select_n3A_30, %add3A_95 : i32
    %dma_start3A_97 = arith.constant 496 : i32
    %dma_start3A_98 = arith.constant 0 : i32
    %dma_start3A_99 = tpu.memref_slice %arg6[%dma_start3A_97, %dma_start3A_98] : memref<1016x128xf32, #tpu.memory_space<vmem>> -> memref<512x128xf32, #tpu.memory_space<vmem>>
    %dma_start3A_100 = arith.constant 0 : i32
    %dma_start3A_101 = tpu.memref_slice %arg5[%add3A_96, %dma_start3A_100, %mul3A_32] : memref<512x512x256xf32, #tpu.memory_space<hbm>> -> memref<1x512x128xf32, #tpu.memory_space<hbm>>
    %dma_start3A_102 = tpu.memref_squeeze %dma_start3A_101 : memref<1x512x128xf32, #tpu.memory_space<hbm>> -> memref<512x128xf32, #tpu.memory_space<hbm>>
    %dma_start3A_103 = arith.constant 0 : i32
    %dma_start3A_104 = tpu.memref_slice %arg5[%add3A_96, %dma_start3A_103, %mul3A_32] : memref<512x512x256xf32, #tpu.memory_space<hbm>> -> memref<1x512x128xf32, #tpu.memory_space<hbm>>
    %dma_start3A_105 = tpu.memref_squeeze %dma_start3A_104 : memref<1x512x128xf32, #tpu.memory_space<hbm>> -> memref<512x128xf32, #tpu.memory_space<hbm>>
    %dma_start3A_106 = arith.constant 496 : i32
    %dma_start3A_107 = arith.constant 0 : i32
    %dma_start3A_108 = tpu.memref_slice %arg6[%dma_start3A_106, %dma_start3A_107] : memref<1016x128xf32, #tpu.memory_space<vmem>> -> memref<512x128xf32, #tpu.memory_space<vmem>>
    tpu.enqueue_dma source(%dma_start3A_108 : memref<512x128xf32, #tpu.memory_space<vmem>>) target(%dma_start3A_105 : memref<512x128xf32, #tpu.memory_space<hbm>>) target_semaphore(%arg7 : memref<!tpu.dma_semaphore, #tpu.memory_space<semaphore_mem>>)
    %add3A_109 = arith.constant 16 : i32
    %add3A_110 = arith.addi %select_n3A_30, %add3A_109 : i32
    %dma_start3A_111 = arith.constant 480 : i32
    %dma_start3A_112 = arith.constant 0 : i32
    %dma_start3A_113 = tpu.memref_slice %arg6[%dma_start3A_111, %dma_start3A_112] : memref<1016x128xf32, #tpu.memory_space<vmem>> -> memref<512x128xf32, #tpu.memory_space<vmem>>
    %dma_start3A_114 = arith.constant 0 : i32
    %dma_start3A_115 = tpu.memref_slice %arg5[%add3A_110, %dma_start3A_114, %mul3A_32] : memref<512x512x256xf32, #tpu.memory_space<hbm>> -> memref<1x512x128xf32, #tpu.memory_space<hbm>>
    %dma_start3A_116 = tpu.memref_squeeze %dma_start3A_115 : memref<1x512x128xf32, #tpu.memory_space<hbm>> -> memref<512x128xf32, #tpu.memory_space<hbm>>
    %dma_start3A_117 = arith.constant 0 : i32
    %dma_start3A_118 = tpu.memref_slice %arg5[%add3A_110, %dma_start3A_117, %mul3A_32] : memref<512x512x256xf32, #tpu.memory_space<hbm>> -> memref<1x512x128xf32, #tpu.memory_space<hbm>>
    %dma_start3A_119 = tpu.memref_squeeze %dma_start3A_118 : memref<1x512x128xf32, #tpu.memory_space<hbm>> -> memref<512x128xf32, #tpu.memory_space<hbm>>
    %dma_start3A_120 = arith.constant 480 : i32
    %dma_start3A_121 = arith.constant 0 : i32
    %dma_start3A_122 = tpu.memref_slice %arg6[%dma_start3A_120, %dma_start3A_121] : memref<1016x128xf32, #tpu.memory_space<vmem>> -> memref<512x128xf32, #tpu.memory_space<vmem>>
    tpu.enqueue_dma source(%dma_start3A_122 : memref<512x128xf32, #tpu.memory_space<vmem>>) target(%dma_start3A_119 : memref<512x128xf32, #tpu.memory_space<hbm>>) target_semaphore(%arg7 : memref<!tpu.dma_semaphore, #tpu.memory_space<semaphore_mem>>)
    %add3A_123 = arith.constant 32 : i32
    %add3A_124 = arith.addi %select_n3A_30, %add3A_123 : i32
    %dma_start3A_125 = arith.constant 464 : i32
    %dma_start3A_126 = arith.constant 0 : i32
    %dma_start3A_127 = tpu.memref_slice %arg6[%dma_start3A_125, %dma_start3A_126] : memref<1016x128xf32, #tpu.memory_space<vmem>> -> memref<512x128xf32, #tpu.memory_space<vmem>>
    %dma_start3A_128 = arith.constant 0 : i32
    %dma_start3A_129 = tpu.memref_slice %arg5[%add3A_124, %dma_start3A_128, %mul3A_32] : memref<512x512x256xf32, #tpu.memory_space<hbm>> -> memref<1x512x128xf32, #tpu.memory_space<hbm>>
    %dma_start3A_130 = tpu.memref_squeeze %dma_start3A_129 : memref<1x512x128xf32, #tpu.memory_space<hbm>> -> memref<512x128xf32, #tpu.memory_space<hbm>>
    %dma_start3A_131 = arith.constant 0 : i32
    %dma_start3A_132 = tpu.memref_slice %arg5[%add3A_124, %dma_start3A_131, %mul3A_32] : memref<512x512x256xf32, #tpu.memory_space<hbm>> -> memref<1x512x128xf32, #tpu.memory_space<hbm>>
    %dma_start3A_133 = tpu.memref_squeeze %dma_start3A_132 : memref<1x512x128xf32, #tpu.memory_space<hbm>> -> memref<512x128xf32, #tpu.memory_space<hbm>>
    %dma_start3A_134 = arith.constant 464 : i32
    %dma_start3A_135 = arith.constant 0 : i32
    %dma_start3A_136 = tpu.memref_slice %arg6[%dma_start3A_134, %dma_start3A_135] : memref<1016x128xf32, #tpu.memory_space<vmem>> -> memref<512x128xf32, #tpu.memory_space<vmem>>
    tpu.enqueue_dma source(%dma_start3A_136 : memref<512x128xf32, #tpu.memory_space<vmem>>) target(%dma_start3A_133 : memref<512x128xf32, #tpu.memory_space<hbm>>) target_semaphore(%arg7 : memref<!tpu.dma_semaphore, #tpu.memory_space<semaphore_mem>>)
    %add3A_137 = arith.constant 48 : i32
    %add3A_138 = arith.addi %select_n3A_30, %add3A_137 : i32
    %dma_start3A_139 = arith.constant 448 : i32
    %dma_start3A_140 = arith.constant 0 : i32
    %dma_start3A_141 = tpu.memref_slice %arg6[%dma_start3A_139, %dma_start3A_140] : memref<1016x128xf32, #tpu.memory_space<vmem>> -> memref<512x128xf32, #tpu.memory_space<vmem>>
    %dma_start3A_142 = arith.constant 0 : i32
    %dma_start3A_143 = tpu.memref_slice %arg5[%add3A_138, %dma_start3A_142, %mul3A_32] : memref<512x512x256xf32, #tpu.memory_space<hbm>> -> memref<1x512x128xf32, #tpu.memory_space<hbm>>
    %dma_start3A_144 = tpu.memref_squeeze %dma_start3A_143 : memref<1x512x128xf32, #tpu.memory_space<hbm>> -> memref<512x128xf32, #tpu.memory_space<hbm>>
    %dma_start3A_145 = arith.constant 0 : i32
    %dma_start3A_146 = tpu.memref_slice %arg5[%add3A_138, %dma_start3A_145, %mul3A_32] : memref<512x512x256xf32, #tpu.memory_space<hbm>> -> memref<1x512x128xf32, #tpu.memory_space<hbm>>
    %dma_start3A_147 = tpu.memref_squeeze %dma_start3A_146 : memref<1x512x128xf32, #tpu.memory_space<hbm>> -> memref<512x128xf32, #tpu.memory_space<hbm>>
    %dma_start3A_148 = arith.constant 448 : i32
    %dma_start3A_149 = arith.constant 0 : i32
    %dma_start3A_150 = tpu.memref_slice %arg6[%dma_start3A_148, %dma_start3A_149] : memref<1016x128xf32, #tpu.memory_space<vmem>> -> memref<512x128xf32, #tpu.memory_space<vmem>>
    tpu.enqueue_dma source(%dma_start3A_150 : memref<512x128xf32, #tpu.memory_space<vmem>>) target(%dma_start3A_147 : memref<512x128xf32, #tpu.memory_space<hbm>>) target_semaphore(%arg7 : memref<!tpu.dma_semaphore, #tpu.memory_space<semaphore_mem>>)
    %add3A_151 = arith.constant 64 : i32
    %add3A_152 = arith.addi %select_n3A_30, %add3A_151 : i32
    %dma_start3A_153 = arith.constant 432 : i32
    %dma_start3A_154 = arith.constant 0 : i32
    %dma_start3A_155 = tpu.memref_slice %arg6[%dma_start3A_153, %dma_start3A_154] : memref<1016x128xf32, #tpu.memory_space<vmem>> -> memref<512x128xf32, #tpu.memory_space<vmem>>
    %dma_start3A_156 = arith.constant 0 : i32
    %dma_start3A_157 = tpu.memref_slice %arg5[%add3A_152, %dma_start3A_156, %mul3A_32] : memref<512x512x256xf32, #tpu.memory_space<hbm>> -> memref<1x512x128xf32, #tpu.memory_space<hbm>>
    %dma_start3A_158 = tpu.memref_squeeze %dma_start3A_157 : memref<1x512x128xf32, #tpu.memory_space<hbm>> -> memref<512x128xf32, #tpu.memory_space<hbm>>
    %dma_start3A_159 = arith.constant 0 : i32
    %dma_start3A_160 = tpu.memref_slice %arg5[%add3A_152, %dma_start3A_159, %mul3A_32] : memref<512x512x256xf32, #tpu.memory_space<hbm>> -> memref<1x512x128xf32, #tpu.memory_space<hbm>>
    %dma_start3A_161 = tpu.memref_squeeze %dma_start3A_160 : memref<1x512x128xf32, #tpu.memory_space<hbm>> -> memref<512x128xf32, #tpu.memory_space<hbm>>
    %dma_start3A_162 = arith.constant 432 : i32
    %dma_start3A_163 = arith.constant 0 : i32
    %dma_start3A_164 = tpu.memref_slice %arg6[%dma_start3A_162, %dma_start3A_163] : memref<1016x128xf32, #tpu.memory_space<vmem>> -> memref<512x128xf32, #tpu.memory_space<vmem>>
    tpu.enqueue_dma source(%dma_start3A_164 : memref<512x128xf32, #tpu.memory_space<vmem>>) target(%dma_start3A_161 : memref<512x128xf32, #tpu.memory_space<hbm>>) target_semaphore(%arg7 : memref<!tpu.dma_semaphore, #tpu.memory_space<semaphore_mem>>)
    %add3A_165 = arith.constant 80 : i32
    %add3A_166 = arith.addi %select_n3A_30, %add3A_165 : i32
    %dma_start3A_167 = arith.constant 416 : i32
    %dma_start3A_168 = arith.constant 0 : i32
    %dma_start3A_169 = tpu.memref_slice %arg6[%dma_start3A_167, %dma_start3A_168] : memref<1016x128xf32, #tpu.memory_space<vmem>> -> memref<512x128xf32, #tpu.memory_space<vmem>>
    %dma_start3A_170 = arith.constant 0 : i32
    %dma_start3A_171 = tpu.memref_slice %arg5[%add3A_166, %dma_start3A_170, %mul3A_32] : memref<512x512x256xf32, #tpu.memory_space<hbm>> -> memref<1x512x128xf32, #tpu.memory_space<hbm>>
    %dma_start3A_172 = tpu.memref_squeeze %dma_start3A_171 : memref<1x512x128xf32, #tpu.memory_space<hbm>> -> memref<512x128xf32, #tpu.memory_space<hbm>>
    %dma_start3A_173 = arith.constant 0 : i32
    %dma_start3A_174 = tpu.memref_slice %arg5[%add3A_166, %dma_start3A_173, %mul3A_32] : memref<512x512x256xf32, #tpu.memory_space<hbm>> -> memref<1x512x128xf32, #tpu.memory_space<hbm>>
    %dma_start3A_175 = tpu.memref_squeeze %dma_start3A_174 : memref<1x512x128xf32, #tpu.memory_space<hbm>> -> memref<512x128xf32, #tpu.memory_space<hbm>>
    %dma_start3A_176 = arith.constant 416 : i32
    %dma_start3A_177 = arith.constant 0 : i32
    %dma_start3A_178 = tpu.memref_slice %arg6[%dma_start3A_176, %dma_start3A_177] : memref<1016x128xf32, #tpu.memory_space<vmem>> -> memref<512x128xf32, #tpu.memory_space<vmem>>
    tpu.enqueue_dma source(%dma_start3A_178 : memref<512x128xf32, #tpu.memory_space<vmem>>) target(%dma_start3A_175 : memref<512x128xf32, #tpu.memory_space<hbm>>) target_semaphore(%arg7 : memref<!tpu.dma_semaphore, #tpu.memory_space<semaphore_mem>>)
    %add3A_179 = arith.constant 96 : i32
    %add3A_180 = arith.addi %select_n3A_30, %add3A_179 : i32
    %dma_start3A_181 = arith.constant 400 : i32
    %dma_start3A_182 = arith.constant 0 : i32
    %dma_start3A_183 = tpu.memref_slice %arg6[%dma_start3A_181, %dma_start3A_182] : memref<1016x128xf32, #tpu.memory_space<vmem>> -> memref<512x128xf32, #tpu.memory_space<vmem>>
    %dma_start3A_184 = arith.constant 0 : i32
    %dma_start3A_185 = tpu.memref_slice %arg5[%add3A_180, %dma_start3A_184, %mul3A_32] : memref<512x512x256xf32, #tpu.memory_space<hbm>> -> memref<1x512x128xf32, #tpu.memory_space<hbm>>
    %dma_start3A_186 = tpu.memref_squeeze %dma_start3A_185 : memref<1x512x128xf32, #tpu.memory_space<hbm>> -> memref<512x128xf32, #tpu.memory_space<hbm>>
    %dma_start3A_187 = arith.constant 0 : i32
    %dma_start3A_188 = tpu.memref_slice %arg5[%add3A_180, %dma_start3A_187, %mul3A_32] : memref<512x512x256xf32, #tpu.memory_space<hbm>> -> memref<1x512x128xf32, #tpu.memory_space<hbm>>
    %dma_start3A_189 = tpu.memref_squeeze %dma_start3A_188 : memref<1x512x128xf32, #tpu.memory_space<hbm>> -> memref<512x128xf32, #tpu.memory_space<hbm>>
    %dma_start3A_190 = arith.constant 400 : i32
    %dma_start3A_191 = arith.constant 0 : i32
    %dma_start3A_192 = tpu.memref_slice %arg6[%dma_start3A_190, %dma_start3A_191] : memref<1016x128xf32, #tpu.memory_space<vmem>> -> memref<512x128xf32, #tpu.memory_space<vmem>>
    tpu.enqueue_dma source(%dma_start3A_192 : memref<512x128xf32, #tpu.memory_space<vmem>>) target(%dma_start3A_189 : memref<512x128xf32, #tpu.memory_space<hbm>>) target_semaphore(%arg7 : memref<!tpu.dma_semaphore, #tpu.memory_space<semaphore_mem>>)
    %add3A_193 = arith.constant 112 : i32
    %add3A_194 = arith.addi %select_n3A_30, %add3A_193 : i32
    %dma_start3A_195 = arith.constant 384 : i32
    %dma_start3A_196 = arith.constant 0 : i32
    %dma_start3A_197 = tpu.memref_slice %arg6[%dma_start3A_195, %dma_start3A_196] : memref<1016x128xf32, #tpu.memory_space<vmem>> -> memref<512x128xf32, #tpu.memory_space<vmem>>
    %dma_start3A_198 = arith.constant 0 : i32
    %dma_start3A_199 = tpu.memref_slice %arg5[%add3A_194, %dma_start3A_198, %mul3A_32] : memref<512x512x256xf32, #tpu.memory_space<hbm>> -> memref<1x512x128xf32, #tpu.memory_space<hbm>>
    %dma_start3A_200 = tpu.memref_squeeze %dma_start3A_199 : memref<1x512x128xf32, #tpu.memory_space<hbm>> -> memref<512x128xf32, #tpu.memory_space<hbm>>
    %dma_start3A_201 = arith.constant 0 : i32
    %dma_start3A_202 = tpu.memref_slice %arg5[%add3A_194, %dma_start3A_201, %mul3A_32] : memref<512x512x256xf32, #tpu.memory_space<hbm>> -> memref<1x512x128xf32, #tpu.memory_space<hbm>>
    %dma_start3A_203 = tpu.memref_squeeze %dma_start3A_202 : memref<1x512x128xf32, #tpu.memory_space<hbm>> -> memref<512x128xf32, #tpu.memory_space<hbm>>
    %dma_start3A_204 = arith.constant 384 : i32
    %dma_start3A_205 = arith.constant 0 : i32
    %dma_start3A_206 = tpu.memref_slice %arg6[%dma_start3A_204, %dma_start3A_205] : memref<1016x128xf32, #tpu.memory_space<vmem>> -> memref<512x128xf32, #tpu.memory_space<vmem>>
    tpu.enqueue_dma source(%dma_start3A_206 : memref<512x128xf32, #tpu.memory_space<vmem>>) target(%dma_start3A_203 : memref<512x128xf32, #tpu.memory_space<hbm>>) target_semaphore(%arg7 : memref<!tpu.dma_semaphore, #tpu.memory_space<semaphore_mem>>)
    %add3A_207 = arith.constant 128 : i32
    %add3A_208 = arith.addi %select_n3A_30, %add3A_207 : i32
    %dma_start3A_209 = arith.constant 368 : i32
    %dma_start3A_210 = arith.constant 0 : i32
    %dma_start3A_211 = tpu.memref_slice %arg6[%dma_start3A_209, %dma_start3A_210] : memref<1016x128xf32, #tpu.memory_space<vmem>> -> memref<512x128xf32, #tpu.memory_space<vmem>>
    %dma_start3A_212 = arith.constant 0 : i32
    %dma_start3A_213 = tpu.memref_slice %arg5[%add3A_208, %dma_start3A_212, %mul3A_32] : memref<512x512x256xf32, #tpu.memory_space<hbm>> -> memref<1x512x128xf32, #tpu.memory_space<hbm>>
    %dma_start3A_214 = tpu.memref_squeeze %dma_start3A_213 : memref<1x512x128xf32, #tpu.memory_space<hbm>> -> memref<512x128xf32, #tpu.memory_space<hbm>>
    %dma_start3A_215 = arith.constant 0 : i32
    %dma_start3A_216 = tpu.memref_slice %arg5[%add3A_208, %dma_start3A_215, %mul3A_32] : memref<512x512x256xf32, #tpu.memory_space<hbm>> -> memref<1x512x128xf32, #tpu.memory_space<hbm>>
    %dma_start3A_217 = tpu.memref_squeeze %dma_start3A_216 : memref<1x512x128xf32, #tpu.memory_space<hbm>> -> memref<512x128xf32, #tpu.memory_space<hbm>>
    %dma_start3A_218 = arith.constant 368 : i32
    %dma_start3A_219 = arith.constant 0 : i32
    %dma_start3A_220 = tpu.memref_slice %arg6[%dma_start3A_218, %dma_start3A_219] : memref<1016x128xf32, #tpu.memory_space<vmem>> -> memref<512x128xf32, #tpu.memory_space<vmem>>
    tpu.enqueue_dma source(%dma_start3A_220 : memref<512x128xf32, #tpu.memory_space<vmem>>) target(%dma_start3A_217 : memref<512x128xf32, #tpu.memory_space<hbm>>) target_semaphore(%arg7 : memref<!tpu.dma_semaphore, #tpu.memory_space<semaphore_mem>>)
    %add3A_221 = arith.constant 144 : i32
    %add3A_222 = arith.addi %select_n3A_30, %add3A_221 : i32
    %dma_start3A_223 = arith.constant 352 : i32
    %dma_start3A_224 = arith.constant 0 : i32
    %dma_start3A_225 = tpu.memref_slice %arg6[%dma_start3A_223, %dma_start3A_224] : memref<1016x128xf32, #tpu.memory_space<vmem>> -> memref<512x128xf32, #tpu.memory_space<vmem>>
    %dma_start3A_226 = arith.constant 0 : i32
    %dma_start3A_227 = tpu.memref_slice %arg5[%add3A_222, %dma_start3A_226, %mul3A_32] : memref<512x512x256xf32, #tpu.memory_space<hbm>> -> memref<1x512x128xf32, #tpu.memory_space<hbm>>
    %dma_start3A_228 = tpu.memref_squeeze %dma_start3A_227 : memref<1x512x128xf32, #tpu.memory_space<hbm>> -> memref<512x128xf32, #tpu.memory_space<hbm>>
    %dma_start3A_229 = arith.constant 0 : i32
    %dma_start3A_230 = tpu.memref_slice %arg5[%add3A_222, %dma_start3A_229, %mul3A_32] : memref<512x512x256xf32, #tpu.memory_space<hbm>> -> memref<1x512x128xf32, #tpu.memory_space<hbm>>
    %dma_start3A_231 = tpu.memref_squeeze %dma_start3A_230 : memref<1x512x128xf32, #tpu.memory_space<hbm>> -> memref<512x128xf32, #tpu.memory_space<hbm>>
    %dma_start3A_232 = arith.constant 352 : i32
    %dma_start3A_233 = arith.constant 0 : i32
    %dma_start3A_234 = tpu.memref_slice %arg6[%dma_start3A_232, %dma_start3A_233] : memref<1016x128xf32, #tpu.memory_space<vmem>> -> memref<512x128xf32, #tpu.memory_space<vmem>>
    tpu.enqueue_dma source(%dma_start3A_234 : memref<512x128xf32, #tpu.memory_space<vmem>>) target(%dma_start3A_231 : memref<512x128xf32, #tpu.memory_space<hbm>>) target_semaphore(%arg7 : memref<!tpu.dma_semaphore, #tpu.memory_space<semaphore_mem>>)
    %add3A_235 = arith.constant 160 : i32
    %add3A_236 = arith.addi %select_n3A_30, %add3A_235 : i32
    %dma_start3A_237 = arith.constant 336 : i32
    %dma_start3A_238 = arith.constant 0 : i32
    %dma_start3A_239 = tpu.memref_slice %arg6[%dma_start3A_237, %dma_start3A_238] : memref<1016x128xf32, #tpu.memory_space<vmem>> -> memref<512x128xf32, #tpu.memory_space<vmem>>
    %dma_start3A_240 = arith.constant 0 : i32
    %dma_start3A_241 = tpu.memref_slice %arg5[%add3A_236, %dma_start3A_240, %mul3A_32] : memref<512x512x256xf32, #tpu.memory_space<hbm>> -> memref<1x512x128xf32, #tpu.memory_space<hbm>>
    %dma_start3A_242 = tpu.memref_squeeze %dma_start3A_241 : memref<1x512x128xf32, #tpu.memory_space<hbm>> -> memref<512x128xf32, #tpu.memory_space<hbm>>
    %dma_start3A_243 = arith.constant 0 : i32
    %dma_start3A_244 = tpu.memref_slice %arg5[%add3A_236, %dma_start3A_243, %mul3A_32] : memref<512x512x256xf32, #tpu.memory_space<hbm>> -> memref<1x512x128xf32, #tpu.memory_space<hbm>>
    %dma_start3A_245 = tpu.memref_squeeze %dma_start3A_244 : memref<1x512x128xf32, #tpu.memory_space<hbm>> -> memref<512x128xf32, #tpu.memory_space<hbm>>
    %dma_start3A_246 = arith.constant 336 : i32
    %dma_start3A_247 = arith.constant 0 : i32
    %dma_start3A_248 = tpu.memref_slice %arg6[%dma_start3A_246, %dma_start3A_247] : memref<1016x128xf32, #tpu.memory_space<vmem>> -> memref<512x128xf32, #tpu.memory_space<vmem>>
    tpu.enqueue_dma source(%dma_start3A_248 : memref<512x128xf32, #tpu.memory_space<vmem>>) target(%dma_start3A_245 : memref<512x128xf32, #tpu.memory_space<hbm>>) target_semaphore(%arg7 : memref<!tpu.dma_semaphore, #tpu.memory_space<semaphore_mem>>)
    %add3A_249 = arith.constant 176 : i32
    %add3A_250 = arith.addi %select_n3A_30, %add3A_249 : i32
    %dma_start3A_251 = arith.constant 320 : i32
    %dma_start3A_252 = arith.constant 0 : i32
    %dma_start3A_253 = tpu.memref_slice %arg6[%dma_start3A_251, %dma_start3A_252] : memref<1016x128xf32, #tpu.memory_space<vmem>> -> memref<512x128xf32, #tpu.memory_space<vmem>>
    %dma_start3A_254 = arith.constant 0 : i32
    %dma_start3A_255 = tpu.memref_slice %arg5[%add3A_250, %dma_start3A_254, %mul3A_32] : memref<512x512x256xf32, #tpu.memory_space<hbm>> -> memref<1x512x128xf32, #tpu.memory_space<hbm>>
    %dma_start3A_256 = tpu.memref_squeeze %dma_start3A_255 : memref<1x512x128xf32, #tpu.memory_space<hbm>> -> memref<512x128xf32, #tpu.memory_space<hbm>>
    %dma_start3A_257 = arith.constant 0 : i32
    %dma_start3A_258 = tpu.memref_slice %arg5[%add3A_250, %dma_start3A_257, %mul3A_32] : memref<512x512x256xf32, #tpu.memory_space<hbm>> -> memref<1x512x128xf32, #tpu.memory_space<hbm>>
    %dma_start3A_259 = tpu.memref_squeeze %dma_start3A_258 : memref<1x512x128xf32, #tpu.memory_space<hbm>> -> memref<512x128xf32, #tpu.memory_space<hbm>>
    %dma_start3A_260 = arith.constant 320 : i32
    %dma_start3A_261 = arith.constant 0 : i32
    %dma_start3A_262 = tpu.memref_slice %arg6[%dma_start3A_260, %dma_start3A_261] : memref<1016x128xf32, #tpu.memory_space<vmem>> -> memref<512x128xf32, #tpu.memory_space<vmem>>
    tpu.enqueue_dma source(%dma_start3A_262 : memref<512x128xf32, #tpu.memory_space<vmem>>) target(%dma_start3A_259 : memref<512x128xf32, #tpu.memory_space<hbm>>) target_semaphore(%arg7 : memref<!tpu.dma_semaphore, #tpu.memory_space<semaphore_mem>>)
    %add3A_263 = arith.constant 192 : i32
    %add3A_264 = arith.addi %select_n3A_30, %add3A_263 : i32
    %dma_start3A_265 = arith.constant 304 : i32
    %dma_start3A_266 = arith.constant 0 : i32
    %dma_start3A_267 = tpu.memref_slice %arg6[%dma_start3A_265, %dma_start3A_266] : memref<1016x128xf32, #tpu.memory_space<vmem>> -> memref<512x128xf32, #tpu.memory_space<vmem>>
    %dma_start3A_268 = arith.constant 0 : i32
    %dma_start3A_269 = tpu.memref_slice %arg5[%add3A_264, %dma_start3A_268, %mul3A_32] : memref<512x512x256xf32, #tpu.memory_space<hbm>> -> memref<1x512x128xf32, #tpu.memory_space<hbm>>
    %dma_start3A_270 = tpu.memref_squeeze %dma_start3A_269 : memref<1x512x128xf32, #tpu.memory_space<hbm>> -> memref<512x128xf32, #tpu.memory_space<hbm>>
    %dma_start3A_271 = arith.constant 0 : i32
    %dma_start3A_272 = tpu.memref_slice %arg5[%add3A_264, %dma_start3A_271, %mul3A_32] : memref<512x512x256xf32, #tpu.memory_space<hbm>> -> memref<1x512x128xf32, #tpu.memory_space<hbm>>
    %dma_start3A_273 = tpu.memref_squeeze %dma_start3A_272 : memref<1x512x128xf32, #tpu.memory_space<hbm>> -> memref<512x128xf32, #tpu.memory_space<hbm>>
    %dma_start3A_274 = arith.constant 304 : i32
    %dma_start3A_275 = arith.constant 0 : i32
    %dma_start3A_276 = tpu.memref_slice %arg6[%dma_start3A_274, %dma_start3A_275] : memref<1016x128xf32, #tpu.memory_space<vmem>> -> memref<512x128xf32, #tpu.memory_space<vmem>>
    tpu.enqueue_dma source(%dma_start3A_276 : memref<512x128xf32, #tpu.memory_space<vmem>>) target(%dma_start3A_273 : memref<512x128xf32, #tpu.memory_space<hbm>>) target_semaphore(%arg7 : memref<!tpu.dma_semaphore, #tpu.memory_space<semaphore_mem>>)
    %add3A_277 = arith.constant 208 : i32
    %add3A_278 = arith.addi %select_n3A_30, %add3A_277 : i32
    %dma_start3A_279 = arith.constant 288 : i32
    %dma_start3A_280 = arith.constant 0 : i32
    %dma_start3A_281 = tpu.memref_slice %arg6[%dma_start3A_279, %dma_start3A_280] : memref<1016x128xf32, #tpu.memory_space<vmem>> -> memref<512x128xf32, #tpu.memory_space<vmem>>
    %dma_start3A_282 = arith.constant 0 : i32
    %dma_start3A_283 = tpu.memref_slice %arg5[%add3A_278, %dma_start3A_282, %mul3A_32] : memref<512x512x256xf32, #tpu.memory_space<hbm>> -> memref<1x512x128xf32, #tpu.memory_space<hbm>>
    %dma_start3A_284 = tpu.memref_squeeze %dma_start3A_283 : memref<1x512x128xf32, #tpu.memory_space<hbm>> -> memref<512x128xf32, #tpu.memory_space<hbm>>
    %dma_start3A_285 = arith.constant 0 : i32
    %dma_start3A_286 = tpu.memref_slice %arg5[%add3A_278, %dma_start3A_285, %mul3A_32] : memref<512x512x256xf32, #tpu.memory_space<hbm>> -> memref<1x512x128xf32, #tpu.memory_space<hbm>>
    %dma_start3A_287 = tpu.memref_squeeze %dma_start3A_286 : memref<1x512x128xf32, #tpu.memory_space<hbm>> -> memref<512x128xf32, #tpu.memory_space<hbm>>
    %dma_start3A_288 = arith.constant 288 : i32
    %dma_start3A_289 = arith.constant 0 : i32
    %dma_start3A_290 = tpu.memref_slice %arg6[%dma_start3A_288, %dma_start3A_289] : memref<1016x128xf32, #tpu.memory_space<vmem>> -> memref<512x128xf32, #tpu.memory_space<vmem>>
    tpu.enqueue_dma source(%dma_start3A_290 : memref<512x128xf32, #tpu.memory_space<vmem>>) target(%dma_start3A_287 : memref<512x128xf32, #tpu.memory_space<hbm>>) target_semaphore(%arg7 : memref<!tpu.dma_semaphore, #tpu.memory_space<semaphore_mem>>)
    %add3A_291 = arith.constant 224 : i32
    %add3A_292 = arith.addi %select_n3A_30, %add3A_291 : i32
    %dma_start3A_293 = arith.constant 272 : i32
    %dma_start3A_294 = arith.constant 0 : i32
    %dma_start3A_295 = tpu.memref_slice %arg6[%dma_start3A_293, %dma_start3A_294] : memref<1016x128xf32, #tpu.memory_space<vmem>> -> memref<512x128xf32, #tpu.memory_space<vmem>>
    %dma_start3A_296 = arith.constant 0 : i32
    %dma_start3A_297 = tpu.memref_slice %arg5[%add3A_292, %dma_start3A_296, %mul3A_32] : memref<512x512x256xf32, #tpu.memory_space<hbm>> -> memref<1x512x128xf32, #tpu.memory_space<hbm>>
    %dma_start3A_298 = tpu.memref_squeeze %dma_start3A_297 : memref<1x512x128xf32, #tpu.memory_space<hbm>> -> memref<512x128xf32, #tpu.memory_space<hbm>>
    %dma_start3A_299 = arith.constant 0 : i32
    %dma_start3A_300 = tpu.memref_slice %arg5[%add3A_292, %dma_start3A_299, %mul3A_32] : memref<512x512x256xf32, #tpu.memory_space<hbm>> -> memref<1x512x128xf32, #tpu.memory_space<hbm>>
    %dma_start3A_301 = tpu.memref_squeeze %dma_start3A_300 : memref<1x512x128xf32, #tpu.memory_space<hbm>> -> memref<512x128xf32, #tpu.memory_space<hbm>>
    %dma_start3A_302 = arith.constant 272 : i32
    %dma_start3A_303 = arith.constant 0 : i32
    %dma_start3A_304 = tpu.memref_slice %arg6[%dma_start3A_302, %dma_start3A_303] : memref<1016x128xf32, #tpu.memory_space<vmem>> -> memref<512x128xf32, #tpu.memory_space<vmem>>
    tpu.enqueue_dma source(%dma_start3A_304 : memref<512x128xf32, #tpu.memory_space<vmem>>) target(%dma_start3A_301 : memref<512x128xf32, #tpu.memory_space<hbm>>) target_semaphore(%arg7 : memref<!tpu.dma_semaphore, #tpu.memory_space<semaphore_mem>>)
    %add3A_305 = arith.constant 240 : i32
    %add3A_306 = arith.addi %select_n3A_30, %add3A_305 : i32
    %dma_start3A_307 = arith.constant 256 : i32
    %dma_start3A_308 = arith.constant 0 : i32
    %dma_start3A_309 = tpu.memref_slice %arg6[%dma_start3A_307, %dma_start3A_308] : memref<1016x128xf32, #tpu.memory_space<vmem>> -> memref<512x128xf32, #tpu.memory_space<vmem>>
    %dma_start3A_310 = arith.constant 0 : i32
    %dma_start3A_311 = tpu.memref_slice %arg5[%add3A_306, %dma_start3A_310, %mul3A_32] : memref<512x512x256xf32, #tpu.memory_space<hbm>> -> memref<1x512x128xf32, #tpu.memory_space<hbm>>
    %dma_start3A_312 = tpu.memref_squeeze %dma_start3A_311 : memref<1x512x128xf32, #tpu.memory_space<hbm>> -> memref<512x128xf32, #tpu.memory_space<hbm>>
    %dma_start3A_313 = arith.constant 0 : i32
    %dma_start3A_314 = tpu.memref_slice %arg5[%add3A_306, %dma_start3A_313, %mul3A_32] : memref<512x512x256xf32, #tpu.memory_space<hbm>> -> memref<1x512x128xf32, #tpu.memory_space<hbm>>
    %dma_start3A_315 = tpu.memref_squeeze %dma_start3A_314 : memref<1x512x128xf32, #tpu.memory_space<hbm>> -> memref<512x128xf32, #tpu.memory_space<hbm>>
    %dma_start3A_316 = arith.constant 256 : i32
    %dma_start3A_317 = arith.constant 0 : i32
    %dma_start3A_318 = tpu.memref_slice %arg6[%dma_start3A_316, %dma_start3A_317] : memref<1016x128xf32, #tpu.memory_space<vmem>> -> memref<512x128xf32, #tpu.memory_space<vmem>>
    tpu.enqueue_dma source(%dma_start3A_318 : memref<512x128xf32, #tpu.memory_space<vmem>>) target(%dma_start3A_315 : memref<512x128xf32, #tpu.memory_space<hbm>>) target_semaphore(%arg7 : memref<!tpu.dma_semaphore, #tpu.memory_space<semaphore_mem>>)
    %add3A_319 = arith.constant 256 : i32
    %add3A_320 = arith.addi %select_n3A_30, %add3A_319 : i32
    %dma_start3A_321 = arith.constant 240 : i32
    %dma_start3A_322 = arith.constant 0 : i32
    %dma_start3A_323 = tpu.memref_slice %arg6[%dma_start3A_321, %dma_start3A_322] : memref<1016x128xf32, #tpu.memory_space<vmem>> -> memref<512x128xf32, #tpu.memory_space<vmem>>
    %dma_start3A_324 = arith.constant 0 : i32
    %dma_start3A_325 = tpu.memref_slice %arg5[%add3A_320, %dma_start3A_324, %mul3A_32] : memref<512x512x256xf32, #tpu.memory_space<hbm>> -> memref<1x512x128xf32, #tpu.memory_space<hbm>>
    %dma_start3A_326 = tpu.memref_squeeze %dma_start3A_325 : memref<1x512x128xf32, #tpu.memory_space<hbm>> -> memref<512x128xf32, #tpu.memory_space<hbm>>
    %dma_start3A_327 = arith.constant 0 : i32
    %dma_start3A_328 = tpu.memref_slice %arg5[%add3A_320, %dma_start3A_327, %mul3A_32] : memref<512x512x256xf32, #tpu.memory_space<hbm>> -> memref<1x512x128xf32, #tpu.memory_space<hbm>>
    %dma_start3A_329 = tpu.memref_squeeze %dma_start3A_328 : memref<1x512x128xf32, #tpu.memory_space<hbm>> -> memref<512x128xf32, #tpu.memory_space<hbm>>
    %dma_start3A_330 = arith.constant 240 : i32
    %dma_start3A_331 = arith.constant 0 : i32
    %dma_start3A_332 = tpu.memref_slice %arg6[%dma_start3A_330, %dma_start3A_331] : memref<1016x128xf32, #tpu.memory_space<vmem>> -> memref<512x128xf32, #tpu.memory_space<vmem>>
    tpu.enqueue_dma source(%dma_start3A_332 : memref<512x128xf32, #tpu.memory_space<vmem>>) target(%dma_start3A_329 : memref<512x128xf32, #tpu.memory_space<hbm>>) target_semaphore(%arg7 : memref<!tpu.dma_semaphore, #tpu.memory_space<semaphore_mem>>)
    %add3A_333 = arith.constant 272 : i32
    %add3A_334 = arith.addi %select_n3A_30, %add3A_333 : i32
    %dma_start3A_335 = arith.constant 224 : i32
    %dma_start3A_336 = arith.constant 0 : i32
    %dma_start3A_337 = tpu.memref_slice %arg6[%dma_start3A_335, %dma_start3A_336] : memref<1016x128xf32, #tpu.memory_space<vmem>> -> memref<512x128xf32, #tpu.memory_space<vmem>>
    %dma_start3A_338 = arith.constant 0 : i32
    %dma_start3A_339 = tpu.memref_slice %arg5[%add3A_334, %dma_start3A_338, %mul3A_32] : memref<512x512x256xf32, #tpu.memory_space<hbm>> -> memref<1x512x128xf32, #tpu.memory_space<hbm>>
    %dma_start3A_340 = tpu.memref_squeeze %dma_start3A_339 : memref<1x512x128xf32, #tpu.memory_space<hbm>> -> memref<512x128xf32, #tpu.memory_space<hbm>>
    %dma_start3A_341 = arith.constant 0 : i32
    %dma_start3A_342 = tpu.memref_slice %arg5[%add3A_334, %dma_start3A_341, %mul3A_32] : memref<512x512x256xf32, #tpu.memory_space<hbm>> -> memref<1x512x128xf32, #tpu.memory_space<hbm>>
    %dma_start3A_343 = tpu.memref_squeeze %dma_start3A_342 : memref<1x512x128xf32, #tpu.memory_space<hbm>> -> memref<512x128xf32, #tpu.memory_space<hbm>>
    %dma_start3A_344 = arith.constant 224 : i32
    %dma_start3A_345 = arith.constant 0 : i32
    %dma_start3A_346 = tpu.memref_slice %arg6[%dma_start3A_344, %dma_start3A_345] : memref<1016x128xf32, #tpu.memory_space<vmem>> -> memref<512x128xf32, #tpu.memory_space<vmem>>
    tpu.enqueue_dma source(%dma_start3A_346 : memref<512x128xf32, #tpu.memory_space<vmem>>) target(%dma_start3A_343 : memref<512x128xf32, #tpu.memory_space<hbm>>) target_semaphore(%arg7 : memref<!tpu.dma_semaphore, #tpu.memory_space<semaphore_mem>>)
    %add3A_347 = arith.constant 288 : i32
    %add3A_348 = arith.addi %select_n3A_30, %add3A_347 : i32
    %dma_start3A_349 = arith.constant 208 : i32
    %dma_start3A_350 = arith.constant 0 : i32
    %dma_start3A_351 = tpu.memref_slice %arg6[%dma_start3A_349, %dma_start3A_350] : memref<1016x128xf32, #tpu.memory_space<vmem>> -> memref<512x128xf32, #tpu.memory_space<vmem>>
    %dma_start3A_352 = arith.constant 0 : i32
    %dma_start3A_353 = tpu.memref_slice %arg5[%add3A_348, %dma_start3A_352, %mul3A_32] : memref<512x512x256xf32, #tpu.memory_space<hbm>> -> memref<1x512x128xf32, #tpu.memory_space<hbm>>
    %dma_start3A_354 = tpu.memref_squeeze %dma_start3A_353 : memref<1x512x128xf32, #tpu.memory_space<hbm>> -> memref<512x128xf32, #tpu.memory_space<hbm>>
    %dma_start3A_355 = arith.constant 0 : i32
    %dma_start3A_356 = tpu.memref_slice %arg5[%add3A_348, %dma_start3A_355, %mul3A_32] : memref<512x512x256xf32, #tpu.memory_space<hbm>> -> memref<1x512x128xf32, #tpu.memory_space<hbm>>
    %dma_start3A_357 = tpu.memref_squeeze %dma_start3A_356 : memref<1x512x128xf32, #tpu.memory_space<hbm>> -> memref<512x128xf32, #tpu.memory_space<hbm>>
    %dma_start3A_358 = arith.constant 208 : i32
    %dma_start3A_359 = arith.constant 0 : i32
    %dma_start3A_360 = tpu.memref_slice %arg6[%dma_start3A_358, %dma_start3A_359] : memref<1016x128xf32, #tpu.memory_space<vmem>> -> memref<512x128xf32, #tpu.memory_space<vmem>>
    tpu.enqueue_dma source(%dma_start3A_360 : memref<512x128xf32, #tpu.memory_space<vmem>>) target(%dma_start3A_357 : memref<512x128xf32, #tpu.memory_space<hbm>>) target_semaphore(%arg7 : memref<!tpu.dma_semaphore, #tpu.memory_space<semaphore_mem>>)
    %add3A_361 = arith.constant 304 : i32
    %add3A_362 = arith.addi %select_n3A_30, %add3A_361 : i32
    %dma_start3A_363 = arith.constant 192 : i32
    %dma_start3A_364 = arith.constant 0 : i32
    %dma_start3A_365 = tpu.memref_slice %arg6[%dma_start3A_363, %dma_start3A_364] : memref<1016x128xf32, #tpu.memory_space<vmem>> -> memref<512x128xf32, #tpu.memory_space<vmem>>
    %dma_start3A_366 = arith.constant 0 : i32
    %dma_start3A_367 = tpu.memref_slice %arg5[%add3A_362, %dma_start3A_366, %mul3A_32] : memref<512x512x256xf32, #tpu.memory_space<hbm>> -> memref<1x512x128xf32, #tpu.memory_space<hbm>>
    %dma_start3A_368 = tpu.memref_squeeze %dma_start3A_367 : memref<1x512x128xf32, #tpu.memory_space<hbm>> -> memref<512x128xf32, #tpu.memory_space<hbm>>
    %dma_start3A_369 = arith.constant 0 : i32
    %dma_start3A_370 = tpu.memref_slice %arg5[%add3A_362, %dma_start3A_369, %mul3A_32] : memref<512x512x256xf32, #tpu.memory_space<hbm>> -> memref<1x512x128xf32, #tpu.memory_space<hbm>>
    %dma_start3A_371 = tpu.memref_squeeze %dma_start3A_370 : memref<1x512x128xf32, #tpu.memory_space<hbm>> -> memref<512x128xf32, #tpu.memory_space<hbm>>
    %dma_start3A_372 = arith.constant 192 : i32
    %dma_start3A_373 = arith.constant 0 : i32
    %dma_start3A_374 = tpu.memref_slice %arg6[%dma_start3A_372, %dma_start3A_373] : memref<1016x128xf32, #tpu.memory_space<vmem>> -> memref<512x128xf32, #tpu.memory_space<vmem>>
    tpu.enqueue_dma source(%dma_start3A_374 : memref<512x128xf32, #tpu.memory_space<vmem>>) target(%dma_start3A_371 : memref<512x128xf32, #tpu.memory_space<hbm>>) target_semaphore(%arg7 : memref<!tpu.dma_semaphore, #tpu.memory_space<semaphore_mem>>)
    %add3A_375 = arith.constant 320 : i32
    %add3A_376 = arith.addi %select_n3A_30, %add3A_375 : i32
    %dma_start3A_377 = arith.constant 176 : i32
    %dma_start3A_378 = arith.constant 0 : i32
    %dma_start3A_379 = tpu.memref_slice %arg6[%dma_start3A_377, %dma_start3A_378] : memref<1016x128xf32, #tpu.memory_space<vmem>> -> memref<512x128xf32, #tpu.memory_space<vmem>>
    %dma_start3A_380 = arith.constant 0 : i32
    %dma_start3A_381 = tpu.memref_slice %arg5[%add3A_376, %dma_start3A_380, %mul3A_32] : memref<512x512x256xf32, #tpu.memory_space<hbm>> -> memref<1x512x128xf32, #tpu.memory_space<hbm>>
    %dma_start3A_382 = tpu.memref_squeeze %dma_start3A_381 : memref<1x512x128xf32, #tpu.memory_space<hbm>> -> memref<512x128xf32, #tpu.memory_space<hbm>>
    %dma_start3A_383 = arith.constant 0 : i32
    %dma_start3A_384 = tpu.memref_slice %arg5[%add3A_376, %dma_start3A_383, %mul3A_32] : memref<512x512x256xf32, #tpu.memory_space<hbm>> -> memref<1x512x128xf32, #tpu.memory_space<hbm>>
    %dma_start3A_385 = tpu.memref_squeeze %dma_start3A_384 : memref<1x512x128xf32, #tpu.memory_space<hbm>> -> memref<512x128xf32, #tpu.memory_space<hbm>>
    %dma_start3A_386 = arith.constant 176 : i32
    %dma_start3A_387 = arith.constant 0 : i32
    %dma_start3A_388 = tpu.memref_slice %arg6[%dma_start3A_386, %dma_start3A_387] : memref<1016x128xf32, #tpu.memory_space<vmem>> -> memref<512x128xf32, #tpu.memory_space<vmem>>
    tpu.enqueue_dma source(%dma_start3A_388 : memref<512x128xf32, #tpu.memory_space<vmem>>) target(%dma_start3A_385 : memref<512x128xf32, #tpu.memory_space<hbm>>) target_semaphore(%arg7 : memref<!tpu.dma_semaphore, #tpu.memory_space<semaphore_mem>>)
    %add3A_389 = arith.constant 336 : i32
    %add3A_390 = arith.addi %select_n3A_30, %add3A_389 : i32
    %dma_start3A_391 = arith.constant 160 : i32
    %dma_start3A_392 = arith.constant 0 : i32
    %dma_start3A_393 = tpu.memref_slice %arg6[%dma_start3A_391, %dma_start3A_392] : memref<1016x128xf32, #tpu.memory_space<vmem>> -> memref<512x128xf32, #tpu.memory_space<vmem>>
    %dma_start3A_394 = arith.constant 0 : i32
    %dma_start3A_395 = tpu.memref_slice %arg5[%add3A_390, %dma_start3A_394, %mul3A_32] : memref<512x512x256xf32, #tpu.memory_space<hbm>> -> memref<1x512x128xf32, #tpu.memory_space<hbm>>
    %dma_start3A_396 = tpu.memref_squeeze %dma_start3A_395 : memref<1x512x128xf32, #tpu.memory_space<hbm>> -> memref<512x128xf32, #tpu.memory_space<hbm>>
    %dma_start3A_397 = arith.constant 0 : i32
    %dma_start3A_398 = tpu.memref_slice %arg5[%add3A_390, %dma_start3A_397, %mul3A_32] : memref<512x512x256xf32, #tpu.memory_space<hbm>> -> memref<1x512x128xf32, #tpu.memory_space<hbm>>
    %dma_start3A_399 = tpu.memref_squeeze %dma_start3A_398 : memref<1x512x128xf32, #tpu.memory_space<hbm>> -> memref<512x128xf32, #tpu.memory_space<hbm>>
    %dma_start3A_400 = arith.constant 160 : i32
    %dma_start3A_401 = arith.constant 0 : i32
    %dma_start3A_402 = tpu.memref_slice %arg6[%dma_start3A_400, %dma_start3A_401] : memref<1016x128xf32, #tpu.memory_space<vmem>> -> memref<512x128xf32, #tpu.memory_space<vmem>>
    tpu.enqueue_dma source(%dma_start3A_402 : memref<512x128xf32, #tpu.memory_space<vmem>>) target(%dma_start3A_399 : memref<512x128xf32, #tpu.memory_space<hbm>>) target_semaphore(%arg7 : memref<!tpu.dma_semaphore, #tpu.memory_space<semaphore_mem>>)
    %add3A_403 = arith.constant 352 : i32
    %add3A_404 = arith.addi %select_n3A_30, %add3A_403 : i32
    %dma_start3A_405 = arith.constant 144 : i32
    %dma_start3A_406 = arith.constant 0 : i32
    %dma_start3A_407 = tpu.memref_slice %arg6[%dma_start3A_405, %dma_start3A_406] : memref<1016x128xf32, #tpu.memory_space<vmem>> -> memref<512x128xf32, #tpu.memory_space<vmem>>
    %dma_start3A_408 = arith.constant 0 : i32
    %dma_start3A_409 = tpu.memref_slice %arg5[%add3A_404, %dma_start3A_408, %mul3A_32] : memref<512x512x256xf32, #tpu.memory_space<hbm>> -> memref<1x512x128xf32, #tpu.memory_space<hbm>>
    %dma_start3A_410 = tpu.memref_squeeze %dma_start3A_409 : memref<1x512x128xf32, #tpu.memory_space<hbm>> -> memref<512x128xf32, #tpu.memory_space<hbm>>
    %dma_start3A_411 = arith.constant 0 : i32
    %dma_start3A_412 = tpu.memref_slice %arg5[%add3A_404, %dma_start3A_411, %mul3A_32] : memref<512x512x256xf32, #tpu.memory_space<hbm>> -> memref<1x512x128xf32, #tpu.memory_space<hbm>>
    %dma_start3A_413 = tpu.memref_squeeze %dma_start3A_412 : memref<1x512x128xf32, #tpu.memory_space<hbm>> -> memref<512x128xf32, #tpu.memory_space<hbm>>
    %dma_start3A_414 = arith.constant 144 : i32
    %dma_start3A_415 = arith.constant 0 : i32
    %dma_start3A_416 = tpu.memref_slice %arg6[%dma_start3A_414, %dma_start3A_415] : memref<1016x128xf32, #tpu.memory_space<vmem>> -> memref<512x128xf32, #tpu.memory_space<vmem>>
    tpu.enqueue_dma source(%dma_start3A_416 : memref<512x128xf32, #tpu.memory_space<vmem>>) target(%dma_start3A_413 : memref<512x128xf32, #tpu.memory_space<hbm>>) target_semaphore(%arg7 : memref<!tpu.dma_semaphore, #tpu.memory_space<semaphore_mem>>)
    %add3A_417 = arith.constant 368 : i32
    %add3A_418 = arith.addi %select_n3A_30, %add3A_417 : i32
    %dma_start3A_419 = arith.constant 128 : i32
    %dma_start3A_420 = arith.constant 0 : i32
    %dma_start3A_421 = tpu.memref_slice %arg6[%dma_start3A_419, %dma_start3A_420] : memref<1016x128xf32, #tpu.memory_space<vmem>> -> memref<512x128xf32, #tpu.memory_space<vmem>>
    %dma_start3A_422 = arith.constant 0 : i32
    %dma_start3A_423 = tpu.memref_slice %arg5[%add3A_418, %dma_start3A_422, %mul3A_32] : memref<512x512x256xf32, #tpu.memory_space<hbm>> -> memref<1x512x128xf32, #tpu.memory_space<hbm>>
    %dma_start3A_424 = tpu.memref_squeeze %dma_start3A_423 : memref<1x512x128xf32, #tpu.memory_space<hbm>> -> memref<512x128xf32, #tpu.memory_space<hbm>>
    %dma_start3A_425 = arith.constant 0 : i32
    %dma_start3A_426 = tpu.memref_slice %arg5[%add3A_418, %dma_start3A_425, %mul3A_32] : memref<512x512x256xf32, #tpu.memory_space<hbm>> -> memref<1x512x128xf32, #tpu.memory_space<hbm>>
    %dma_start3A_427 = tpu.memref_squeeze %dma_start3A_426 : memref<1x512x128xf32, #tpu.memory_space<hbm>> -> memref<512x128xf32, #tpu.memory_space<hbm>>
    %dma_start3A_428 = arith.constant 128 : i32
    %dma_start3A_429 = arith.constant 0 : i32
    %dma_start3A_430 = tpu.memref_slice %arg6[%dma_start3A_428, %dma_start3A_429] : memref<1016x128xf32, #tpu.memory_space<vmem>> -> memref<512x128xf32, #tpu.memory_space<vmem>>
    tpu.enqueue_dma source(%dma_start3A_430 : memref<512x128xf32, #tpu.memory_space<vmem>>) target(%dma_start3A_427 : memref<512x128xf32, #tpu.memory_space<hbm>>) target_semaphore(%arg7 : memref<!tpu.dma_semaphore, #tpu.memory_space<semaphore_mem>>)
    %add3A_431 = arith.constant 384 : i32
    %add3A_432 = arith.addi %select_n3A_30, %add3A_431 : i32
    %dma_start3A_433 = arith.constant 112 : i32
    %dma_start3A_434 = arith.constant 0 : i32
    %dma_start3A_435 = tpu.memref_slice %arg6[%dma_start3A_433, %dma_start3A_434] : memref<1016x128xf32, #tpu.memory_space<vmem>> -> memref<512x128xf32, #tpu.memory_space<vmem>>
    %dma_start3A_436 = arith.constant 0 : i32
    %dma_start3A_437 = tpu.memref_slice %arg5[%add3A_432, %dma_start3A_436, %mul3A_32] : memref<512x512x256xf32, #tpu.memory_space<hbm>> -> memref<1x512x128xf32, #tpu.memory_space<hbm>>
    %dma_start3A_438 = tpu.memref_squeeze %dma_start3A_437 : memref<1x512x128xf32, #tpu.memory_space<hbm>> -> memref<512x128xf32, #tpu.memory_space<hbm>>
    %dma_start3A_439 = arith.constant 0 : i32
    %dma_start3A_440 = tpu.memref_slice %arg5[%add3A_432, %dma_start3A_439, %mul3A_32] : memref<512x512x256xf32, #tpu.memory_space<hbm>> -> memref<1x512x128xf32, #tpu.memory_space<hbm>>
    %dma_start3A_441 = tpu.memref_squeeze %dma_start3A_440 : memref<1x512x128xf32, #tpu.memory_space<hbm>> -> memref<512x128xf32, #tpu.memory_space<hbm>>
    %dma_start3A_442 = arith.constant 112 : i32
    %dma_start3A_443 = arith.constant 0 : i32
    %dma_start3A_444 = tpu.memref_slice %arg6[%dma_start3A_442, %dma_start3A_443] : memref<1016x128xf32, #tpu.memory_space<vmem>> -> memref<512x128xf32, #tpu.memory_space<vmem>>
    tpu.enqueue_dma source(%dma_start3A_444 : memref<512x128xf32, #tpu.memory_space<vmem>>) target(%dma_start3A_441 : memref<512x128xf32, #tpu.memory_space<hbm>>) target_semaphore(%arg7 : memref<!tpu.dma_semaphore, #tpu.memory_space<semaphore_mem>>)
    %add3A_445 = arith.constant 400 : i32
    %add3A_446 = arith.addi %select_n3A_30, %add3A_445 : i32
    %dma_start3A_447 = arith.constant 96 : i32
    %dma_start3A_448 = arith.constant 0 : i32
    %dma_start3A_449 = tpu.memref_slice %arg6[%dma_start3A_447, %dma_start3A_448] : memref<1016x128xf32, #tpu.memory_space<vmem>> -> memref<512x128xf32, #tpu.memory_space<vmem>>
    %dma_start3A_450 = arith.constant 0 : i32
    %dma_start3A_451 = tpu.memref_slice %arg5[%add3A_446, %dma_start3A_450, %mul3A_32] : memref<512x512x256xf32, #tpu.memory_space<hbm>> -> memref<1x512x128xf32, #tpu.memory_space<hbm>>
    %dma_start3A_452 = tpu.memref_squeeze %dma_start3A_451 : memref<1x512x128xf32, #tpu.memory_space<hbm>> -> memref<512x128xf32, #tpu.memory_space<hbm>>
    %dma_start3A_453 = arith.constant 0 : i32
    %dma_start3A_454 = tpu.memref_slice %arg5[%add3A_446, %dma_start3A_453, %mul3A_32] : memref<512x512x256xf32, #tpu.memory_space<hbm>> -> memref<1x512x128xf32, #tpu.memory_space<hbm>>
    %dma_start3A_455 = tpu.memref_squeeze %dma_start3A_454 : memref<1x512x128xf32, #tpu.memory_space<hbm>> -> memref<512x128xf32, #tpu.memory_space<hbm>>
    %dma_start3A_456 = arith.constant 96 : i32
    %dma_start3A_457 = arith.constant 0 : i32
    %dma_start3A_458 = tpu.memref_slice %arg6[%dma_start3A_456, %dma_start3A_457] : memref<1016x128xf32, #tpu.memory_space<vmem>> -> memref<512x128xf32, #tpu.memory_space<vmem>>
    tpu.enqueue_dma source(%dma_start3A_458 : memref<512x128xf32, #tpu.memory_space<vmem>>) target(%dma_start3A_455 : memref<512x128xf32, #tpu.memory_space<hbm>>) target_semaphore(%arg7 : memref<!tpu.dma_semaphore, #tpu.memory_space<semaphore_mem>>)
    %add3A_459 = arith.constant 416 : i32
    %add3A_460 = arith.addi %select_n3A_30, %add3A_459 : i32
    %dma_start3A_461 = arith.constant 80 : i32
    %dma_start3A_462 = arith.constant 0 : i32
    %dma_start3A_463 = tpu.memref_slice %arg6[%dma_start3A_461, %dma_start3A_462] : memref<1016x128xf32, #tpu.memory_space<vmem>> -> memref<512x128xf32, #tpu.memory_space<vmem>>
    %dma_start3A_464 = arith.constant 0 : i32
    %dma_start3A_465 = tpu.memref_slice %arg5[%add3A_460, %dma_start3A_464, %mul3A_32] : memref<512x512x256xf32, #tpu.memory_space<hbm>> -> memref<1x512x128xf32, #tpu.memory_space<hbm>>
    %dma_start3A_466 = tpu.memref_squeeze %dma_start3A_465 : memref<1x512x128xf32, #tpu.memory_space<hbm>> -> memref<512x128xf32, #tpu.memory_space<hbm>>
    %dma_start3A_467 = arith.constant 0 : i32
    %dma_start3A_468 = tpu.memref_slice %arg5[%add3A_460, %dma_start3A_467, %mul3A_32] : memref<512x512x256xf32, #tpu.memory_space<hbm>> -> memref<1x512x128xf32, #tpu.memory_space<hbm>>
    %dma_start3A_469 = tpu.memref_squeeze %dma_start3A_468 : memref<1x512x128xf32, #tpu.memory_space<hbm>> -> memref<512x128xf32, #tpu.memory_space<hbm>>
    %dma_start3A_470 = arith.constant 80 : i32
    %dma_start3A_471 = arith.constant 0 : i32
    %dma_start3A_472 = tpu.memref_slice %arg6[%dma_start3A_470, %dma_start3A_471] : memref<1016x128xf32, #tpu.memory_space<vmem>> -> memref<512x128xf32, #tpu.memory_space<vmem>>
    tpu.enqueue_dma source(%dma_start3A_472 : memref<512x128xf32, #tpu.memory_space<vmem>>) target(%dma_start3A_469 : memref<512x128xf32, #tpu.memory_space<hbm>>) target_semaphore(%arg7 : memref<!tpu.dma_semaphore, #tpu.memory_space<semaphore_mem>>)
    %add3A_473 = arith.constant 432 : i32
    %add3A_474 = arith.addi %select_n3A_30, %add3A_473 : i32
    %dma_start3A_475 = arith.constant 64 : i32
    %dma_start3A_476 = arith.constant 0 : i32
    %dma_start3A_477 = tpu.memref_slice %arg6[%dma_start3A_475, %dma_start3A_476] : memref<1016x128xf32, #tpu.memory_space<vmem>> -> memref<512x128xf32, #tpu.memory_space<vmem>>
    %dma_start3A_478 = arith.constant 0 : i32
    %dma_start3A_479 = tpu.memref_slice %arg5[%add3A_474, %dma_start3A_478, %mul3A_32] : memref<512x512x256xf32, #tpu.memory_space<hbm>> -> memref<1x512x128xf32, #tpu.memory_space<hbm>>
    %dma_start3A_480 = tpu.memref_squeeze %dma_start3A_479 : memref<1x512x128xf32, #tpu.memory_space<hbm>> -> memref<512x128xf32, #tpu.memory_space<hbm>>
    %dma_start3A_481 = arith.constant 0 : i32
    %dma_start3A_482 = tpu.memref_slice %arg5[%add3A_474, %dma_start3A_481, %mul3A_32] : memref<512x512x256xf32, #tpu.memory_space<hbm>> -> memref<1x512x128xf32, #tpu.memory_space<hbm>>
    %dma_start3A_483 = tpu.memref_squeeze %dma_start3A_482 : memref<1x512x128xf32, #tpu.memory_space<hbm>> -> memref<512x128xf32, #tpu.memory_space<hbm>>
    %dma_start3A_484 = arith.constant 64 : i32
    %dma_start3A_485 = arith.constant 0 : i32
    %dma_start3A_486 = tpu.memref_slice %arg6[%dma_start3A_484, %dma_start3A_485] : memref<1016x128xf32, #tpu.memory_space<vmem>> -> memref<512x128xf32, #tpu.memory_space<vmem>>
    tpu.enqueue_dma source(%dma_start3A_486 : memref<512x128xf32, #tpu.memory_space<vmem>>) target(%dma_start3A_483 : memref<512x128xf32, #tpu.memory_space<hbm>>) target_semaphore(%arg7 : memref<!tpu.dma_semaphore, #tpu.memory_space<semaphore_mem>>)
    %add3A_487 = arith.constant 448 : i32
    %add3A_488 = arith.addi %select_n3A_30, %add3A_487 : i32
    %dma_start3A_489 = arith.constant 48 : i32
    %dma_start3A_490 = arith.constant 0 : i32
    %dma_start3A_491 = tpu.memref_slice %arg6[%dma_start3A_489, %dma_start3A_490] : memref<1016x128xf32, #tpu.memory_space<vmem>> -> memref<512x128xf32, #tpu.memory_space<vmem>>
    %dma_start3A_492 = arith.constant 0 : i32
    %dma_start3A_493 = tpu.memref_slice %arg5[%add3A_488, %dma_start3A_492, %mul3A_32] : memref<512x512x256xf32, #tpu.memory_space<hbm>> -> memref<1x512x128xf32, #tpu.memory_space<hbm>>
    %dma_start3A_494 = tpu.memref_squeeze %dma_start3A_493 : memref<1x512x128xf32, #tpu.memory_space<hbm>> -> memref<512x128xf32, #tpu.memory_space<hbm>>
    %dma_start3A_495 = arith.constant 0 : i32
    %dma_start3A_496 = tpu.memref_slice %arg5[%add3A_488, %dma_start3A_495, %mul3A_32] : memref<512x512x256xf32, #tpu.memory_space<hbm>> -> memref<1x512x128xf32, #tpu.memory_space<hbm>>
    %dma_start3A_497 = tpu.memref_squeeze %dma_start3A_496 : memref<1x512x128xf32, #tpu.memory_space<hbm>> -> memref<512x128xf32, #tpu.memory_space<hbm>>
    %dma_start3A_498 = arith.constant 48 : i32
    %dma_start3A_499 = arith.constant 0 : i32
    %dma_start3A_500 = tpu.memref_slice %arg6[%dma_start3A_498, %dma_start3A_499] : memref<1016x128xf32, #tpu.memory_space<vmem>> -> memref<512x128xf32, #tpu.memory_space<vmem>>
    tpu.enqueue_dma source(%dma_start3A_500 : memref<512x128xf32, #tpu.memory_space<vmem>>) target(%dma_start3A_497 : memref<512x128xf32, #tpu.memory_space<hbm>>) target_semaphore(%arg7 : memref<!tpu.dma_semaphore, #tpu.memory_space<semaphore_mem>>)
    %add3A_501 = arith.constant 464 : i32
    %add3A_502 = arith.addi %select_n3A_30, %add3A_501 : i32
    %dma_start3A_503 = arith.constant 32 : i32
    %dma_start3A_504 = arith.constant 0 : i32
    %dma_start3A_505 = tpu.memref_slice %arg6[%dma_start3A_503, %dma_start3A_504] : memref<1016x128xf32, #tpu.memory_space<vmem>> -> memref<512x128xf32, #tpu.memory_space<vmem>>
    %dma_start3A_506 = arith.constant 0 : i32
    %dma_start3A_507 = tpu.memref_slice %arg5[%add3A_502, %dma_start3A_506, %mul3A_32] : memref<512x512x256xf32, #tpu.memory_space<hbm>> -> memref<1x512x128xf32, #tpu.memory_space<hbm>>
    %dma_start3A_508 = tpu.memref_squeeze %dma_start3A_507 : memref<1x512x128xf32, #tpu.memory_space<hbm>> -> memref<512x128xf32, #tpu.memory_space<hbm>>
    %dma_start3A_509 = arith.constant 0 : i32
    %dma_start3A_510 = tpu.memref_slice %arg5[%add3A_502, %dma_start3A_509, %mul3A_32] : memref<512x512x256xf32, #tpu.memory_space<hbm>> -> memref<1x512x128xf32, #tpu.memory_space<hbm>>
    %dma_start3A_511 = tpu.memref_squeeze %dma_start3A_510 : memref<1x512x128xf32, #tpu.memory_space<hbm>> -> memref<512x128xf32, #tpu.memory_space<hbm>>
    %dma_start3A_512 = arith.constant 32 : i32
    %dma_start3A_513 = arith.constant 0 : i32
    %dma_start3A_514 = tpu.memref_slice %arg6[%dma_start3A_512, %dma_start3A_513] : memref<1016x128xf32, #tpu.memory_space<vmem>> -> memref<512x128xf32, #tpu.memory_space<vmem>>
    tpu.enqueue_dma source(%dma_start3A_514 : memref<512x128xf32, #tpu.memory_space<vmem>>) target(%dma_start3A_511 : memref<512x128xf32, #tpu.memory_space<hbm>>) target_semaphore(%arg7 : memref<!tpu.dma_semaphore, #tpu.memory_space<semaphore_mem>>)
    %add3A_515 = arith.constant 480 : i32
    %add3A_516 = arith.addi %select_n3A_30, %add3A_515 : i32
    %dma_start3A_517 = arith.constant 16 : i32
    %dma_start3A_518 = arith.constant 0 : i32
    %dma_start3A_519 = tpu.memref_slice %arg6[%dma_start3A_517, %dma_start3A_518] : memref<1016x128xf32, #tpu.memory_space<vmem>> -> memref<512x128xf32, #tpu.memory_space<vmem>>
    %dma_start3A_520 = arith.constant 0 : i32
    %dma_start3A_521 = tpu.memref_slice %arg5[%add3A_516, %dma_start3A_520, %mul3A_32] : memref<512x512x256xf32, #tpu.memory_space<hbm>> -> memref<1x512x128xf32, #tpu.memory_space<hbm>>
    %dma_start3A_522 = tpu.memref_squeeze %dma_start3A_521 : memref<1x512x128xf32, #tpu.memory_space<hbm>> -> memref<512x128xf32, #tpu.memory_space<hbm>>
    %dma_start3A_523 = arith.constant 0 : i32
    %dma_start3A_524 = tpu.memref_slice %arg5[%add3A_516, %dma_start3A_523, %mul3A_32] : memref<512x512x256xf32, #tpu.memory_space<hbm>> -> memref<1x512x128xf32, #tpu.memory_space<hbm>>
    %dma_start3A_525 = tpu.memref_squeeze %dma_start3A_524 : memref<1x512x128xf32, #tpu.memory_space<hbm>> -> memref<512x128xf32, #tpu.memory_space<hbm>>
    %dma_start3A_526 = arith.constant 16 : i32
    %dma_start3A_527 = arith.constant 0 : i32
    %dma_start3A_528 = tpu.memref_slice %arg6[%dma_start3A_526, %dma_start3A_527] : memref<1016x128xf32, #tpu.memory_space<vmem>> -> memref<512x128xf32, #tpu.memory_space<vmem>>
    tpu.enqueue_dma source(%dma_start3A_528 : memref<512x128xf32, #tpu.memory_space<vmem>>) target(%dma_start3A_525 : memref<512x128xf32, #tpu.memory_space<hbm>>) target_semaphore(%arg7 : memref<!tpu.dma_semaphore, #tpu.memory_space<semaphore_mem>>)
    %add3A_529 = arith.constant 496 : i32
    %add3A_530 = arith.addi %select_n3A_30, %add3A_529 : i32
    %dma_start3A_531 = arith.constant 0 : i32
    %dma_start3A_532 = arith.constant 0 : i32
    %dma_start3A_533 = tpu.memref_slice %arg6[%dma_start3A_531, %dma_start3A_532] : memref<1016x128xf32, #tpu.memory_space<vmem>> -> memref<512x128xf32, #tpu.memory_space<vmem>>
    %dma_start3A_534 = arith.constant 0 : i32
    %dma_start3A_535 = tpu.memref_slice %arg5[%add3A_530, %dma_start3A_534, %mul3A_32] : memref<512x512x256xf32, #tpu.memory_space<hbm>> -> memref<1x512x128xf32, #tpu.memory_space<hbm>>
    %dma_start3A_536 = tpu.memref_squeeze %dma_start3A_535 : memref<1x512x128xf32, #tpu.memory_space<hbm>> -> memref<512x128xf32, #tpu.memory_space<hbm>>
    %dma_start3A_537 = arith.constant 0 : i32
    %dma_start3A_538 = tpu.memref_slice %arg5[%add3A_530, %dma_start3A_537, %mul3A_32] : memref<512x512x256xf32, #tpu.memory_space<hbm>> -> memref<1x512x128xf32, #tpu.memory_space<hbm>>
    %dma_start3A_539 = tpu.memref_squeeze %dma_start3A_538 : memref<1x512x128xf32, #tpu.memory_space<hbm>> -> memref<512x128xf32, #tpu.memory_space<hbm>>
    %dma_start3A_540 = arith.constant 0 : i32
    %dma_start3A_541 = arith.constant 0 : i32
    %dma_start3A_542 = tpu.memref_slice %arg6[%dma_start3A_540, %dma_start3A_541] : memref<1016x128xf32, #tpu.memory_space<vmem>> -> memref<512x128xf32, #tpu.memory_space<vmem>>
    tpu.enqueue_dma source(%dma_start3A_542 : memref<512x128xf32, #tpu.memory_space<vmem>>) target(%dma_start3A_539 : memref<512x128xf32, #tpu.memory_space<hbm>>) target_semaphore(%arg7 : memref<!tpu.dma_semaphore, #tpu.memory_space<semaphore_mem>>)
    %dma_wait3A_543 = arith.constant 496 : i32
    %dma_wait3A_544 = arith.constant 0 : i32
    %dma_wait3A_545 = tpu.memref_slice %arg6[%dma_wait3A_543, %dma_wait3A_544] : memref<1016x128xf32, #tpu.memory_space<vmem>> -> memref<512x128xf32, #tpu.memory_space<vmem>>
    %dma_wait3A_546 = arith.constant 0 : i32
    %dma_wait3A_547 = tpu.memref_slice %arg5[%add3A_96, %dma_wait3A_546, %mul3A_32] : memref<512x512x256xf32, #tpu.memory_space<hbm>> -> memref<1x512x128xf32, #tpu.memory_space<hbm>>
    %dma_wait3A_548 = tpu.memref_squeeze %dma_wait3A_547 : memref<1x512x128xf32, #tpu.memory_space<hbm>> -> memref<512x128xf32, #tpu.memory_space<hbm>>
    %dma_wait3A_549 = arith.constant 0 : i32
    %dma_wait3A_550 = tpu.memref_slice %arg5[%add3A_96, %dma_wait3A_549, %mul3A_32] : memref<512x512x256xf32, #tpu.memory_space<hbm>> -> memref<1x512x128xf32, #tpu.memory_space<hbm>>
    %dma_wait3A_551 = tpu.memref_squeeze %dma_wait3A_550 : memref<1x512x128xf32, #tpu.memory_space<hbm>> -> memref<512x128xf32, #tpu.memory_space<hbm>>
    %dma_wait3A_552 = arith.constant 496 : i32
    %dma_wait3A_553 = arith.constant 0 : i32
    %dma_wait3A_554 = tpu.memref_slice %arg6[%dma_wait3A_552, %dma_wait3A_553] : memref<1016x128xf32, #tpu.memory_space<vmem>> -> memref<512x128xf32, #tpu.memory_space<vmem>>
    tpu.wait_dma2 semaphore(%arg7 : memref<!tpu.dma_semaphore, #tpu.memory_space<semaphore_mem>>) src(%dma_wait3A_554 : memref<512x128xf32, #tpu.memory_space<vmem>>) dst(%dma_wait3A_551 : memref<512x128xf32, #tpu.memory_space<hbm>>)
    %dma_wait3A_555 = arith.constant 480 : i32
    %dma_wait3A_556 = arith.constant 0 : i32
    %dma_wait3A_557 = tpu.memref_slice %arg6[%dma_wait3A_555, %dma_wait3A_556] : memref<1016x128xf32, #tpu.memory_space<vmem>> -> memref<512x128xf32, #tpu.memory_space<vmem>>
    %dma_wait3A_558 = arith.constant 0 : i32
    %dma_wait3A_559 = tpu.memref_slice %arg5[%add3A_110, %dma_wait3A_558, %mul3A_32] : memref<512x512x256xf32, #tpu.memory_space<hbm>> -> memref<1x512x128xf32, #tpu.memory_space<hbm>>
    %dma_wait3A_560 = tpu.memref_squeeze %dma_wait3A_559 : memref<1x512x128xf32, #tpu.memory_space<hbm>> -> memref<512x128xf32, #tpu.memory_space<hbm>>
    %dma_wait3A_561 = arith.constant 0 : i32
    %dma_wait3A_562 = tpu.memref_slice %arg5[%add3A_110, %dma_wait3A_561, %mul3A_32] : memref<512x512x256xf32, #tpu.memory_space<hbm>> -> memref<1x512x128xf32, #tpu.memory_space<hbm>>
    %dma_wait3A_563 = tpu.memref_squeeze %dma_wait3A_562 : memref<1x512x128xf32, #tpu.memory_space<hbm>> -> memref<512x128xf32, #tpu.memory_space<hbm>>
    %dma_wait3A_564 = arith.constant 480 : i32
    %dma_wait3A_565 = arith.constant 0 : i32
    %dma_wait3A_566 = tpu.memref_slice %arg6[%dma_wait3A_564, %dma_wait3A_565] : memref<1016x128xf32, #tpu.memory_space<vmem>> -> memref<512x128xf32, #tpu.memory_space<vmem>>
    tpu.wait_dma2 semaphore(%arg7 : memref<!tpu.dma_semaphore, #tpu.memory_space<semaphore_mem>>) src(%dma_wait3A_566 : memref<512x128xf32, #tpu.memory_space<vmem>>) dst(%dma_wait3A_563 : memref<512x128xf32, #tpu.memory_space<hbm>>)
    %dma_wait3A_567 = arith.constant 464 : i32
    %dma_wait3A_568 = arith.constant 0 : i32
    %dma_wait3A_569 = tpu.memref_slice %arg6[%dma_wait3A_567, %dma_wait3A_568] : memref<1016x128xf32, #tpu.memory_space<vmem>> -> memref<512x128xf32, #tpu.memory_space<vmem>>
    %dma_wait3A_570 = arith.constant 0 : i32
    %dma_wait3A_571 = tpu.memref_slice %arg5[%add3A_124, %dma_wait3A_570, %mul3A_32] : memref<512x512x256xf32, #tpu.memory_space<hbm>> -> memref<1x512x128xf32, #tpu.memory_space<hbm>>
    %dma_wait3A_572 = tpu.memref_squeeze %dma_wait3A_571 : memref<1x512x128xf32, #tpu.memory_space<hbm>> -> memref<512x128xf32, #tpu.memory_space<hbm>>
    %dma_wait3A_573 = arith.constant 0 : i32
    %dma_wait3A_574 = tpu.memref_slice %arg5[%add3A_124, %dma_wait3A_573, %mul3A_32] : memref<512x512x256xf32, #tpu.memory_space<hbm>> -> memref<1x512x128xf32, #tpu.memory_space<hbm>>
    %dma_wait3A_575 = tpu.memref_squeeze %dma_wait3A_574 : memref<1x512x128xf32, #tpu.memory_space<hbm>> -> memref<512x128xf32, #tpu.memory_space<hbm>>
    %dma_wait3A_576 = arith.constant 464 : i32
    %dma_wait3A_577 = arith.constant 0 : i32
    %dma_wait3A_578 = tpu.memref_slice %arg6[%dma_wait3A_576, %dma_wait3A_577] : memref<1016x128xf32, #tpu.memory_space<vmem>> -> memref<512x128xf32, #tpu.memory_space<vmem>>
    tpu.wait_dma2 semaphore(%arg7 : memref<!tpu.dma_semaphore, #tpu.memory_space<semaphore_mem>>) src(%dma_wait3A_578 : memref<512x128xf32, #tpu.memory_space<vmem>>) dst(%dma_wait3A_575 : memref<512x128xf32, #tpu.memory_space<hbm>>)
    %dma_wait3A_579 = arith.constant 448 : i32
    %dma_wait3A_580 = arith.constant 0 : i32
    %dma_wait3A_581 = tpu.memref_slice %arg6[%dma_wait3A_579, %dma_wait3A_580] : memref<1016x128xf32, #tpu.memory_space<vmem>> -> memref<512x128xf32, #tpu.memory_space<vmem>>
    %dma_wait3A_582 = arith.constant 0 : i32
    %dma_wait3A_583 = tpu.memref_slice %arg5[%add3A_138, %dma_wait3A_582, %mul3A_32] : memref<512x512x256xf32, #tpu.memory_space<hbm>> -> memref<1x512x128xf32, #tpu.memory_space<hbm>>
    %dma_wait3A_584 = tpu.memref_squeeze %dma_wait3A_583 : memref<1x512x128xf32, #tpu.memory_space<hbm>> -> memref<512x128xf32, #tpu.memory_space<hbm>>
    %dma_wait3A_585 = arith.constant 0 : i32
    %dma_wait3A_586 = tpu.memref_slice %arg5[%add3A_138, %dma_wait3A_585, %mul3A_32] : memref<512x512x256xf32, #tpu.memory_space<hbm>> -> memref<1x512x128xf32, #tpu.memory_space<hbm>>
    %dma_wait3A_587 = tpu.memref_squeeze %dma_wait3A_586 : memref<1x512x128xf32, #tpu.memory_space<hbm>> -> memref<512x128xf32, #tpu.memory_space<hbm>>
    %dma_wait3A_588 = arith.constant 448 : i32
    %dma_wait3A_589 = arith.constant 0 : i32
    %dma_wait3A_590 = tpu.memref_slice %arg6[%dma_wait3A_588, %dma_wait3A_589] : memref<1016x128xf32, #tpu.memory_space<vmem>> -> memref<512x128xf32, #tpu.memory_space<vmem>>
    tpu.wait_dma2 semaphore(%arg7 : memref<!tpu.dma_semaphore, #tpu.memory_space<semaphore_mem>>) src(%dma_wait3A_590 : memref<512x128xf32, #tpu.memory_space<vmem>>) dst(%dma_wait3A_587 : memref<512x128xf32, #tpu.memory_space<hbm>>)
    %dma_wait3A_591 = arith.constant 432 : i32
    %dma_wait3A_592 = arith.constant 0 : i32
    %dma_wait3A_593 = tpu.memref_slice %arg6[%dma_wait3A_591, %dma_wait3A_592] : memref<1016x128xf32, #tpu.memory_space<vmem>> -> memref<512x128xf32, #tpu.memory_space<vmem>>
    %dma_wait3A_594 = arith.constant 0 : i32
    %dma_wait3A_595 = tpu.memref_slice %arg5[%add3A_152, %dma_wait3A_594, %mul3A_32] : memref<512x512x256xf32, #tpu.memory_space<hbm>> -> memref<1x512x128xf32, #tpu.memory_space<hbm>>
    %dma_wait3A_596 = tpu.memref_squeeze %dma_wait3A_595 : memref<1x512x128xf32, #tpu.memory_space<hbm>> -> memref<512x128xf32, #tpu.memory_space<hbm>>
    %dma_wait3A_597 = arith.constant 0 : i32
    %dma_wait3A_598 = tpu.memref_slice %arg5[%add3A_152, %dma_wait3A_597, %mul3A_32] : memref<512x512x256xf32, #tpu.memory_space<hbm>> -> memref<1x512x128xf32, #tpu.memory_space<hbm>>
    %dma_wait3A_599 = tpu.memref_squeeze %dma_wait3A_598 : memref<1x512x128xf32, #tpu.memory_space<hbm>> -> memref<512x128xf32, #tpu.memory_space<hbm>>
    %dma_wait3A_600 = arith.constant 432 : i32
    %dma_wait3A_601 = arith.constant 0 : i32
    %dma_wait3A_602 = tpu.memref_slice %arg6[%dma_wait3A_600, %dma_wait3A_601] : memref<1016x128xf32, #tpu.memory_space<vmem>> -> memref<512x128xf32, #tpu.memory_space<vmem>>
    tpu.wait_dma2 semaphore(%arg7 : memref<!tpu.dma_semaphore, #tpu.memory_space<semaphore_mem>>) src(%dma_wait3A_602 : memref<512x128xf32, #tpu.memory_space<vmem>>) dst(%dma_wait3A_599 : memref<512x128xf32, #tpu.memory_space<hbm>>)
    %dma_wait3A_603 = arith.constant 416 : i32
    %dma_wait3A_604 = arith.constant 0 : i32
    %dma_wait3A_605 = tpu.memref_slice %arg6[%dma_wait3A_603, %dma_wait3A_604] : memref<1016x128xf32, #tpu.memory_space<vmem>> -> memref<512x128xf32, #tpu.memory_space<vmem>>
    %dma_wait3A_606 = arith.constant 0 : i32
    %dma_wait3A_607 = tpu.memref_slice %arg5[%add3A_166, %dma_wait3A_606, %mul3A_32] : memref<512x512x256xf32, #tpu.memory_space<hbm>> -> memref<1x512x128xf32, #tpu.memory_space<hbm>>
    %dma_wait3A_608 = tpu.memref_squeeze %dma_wait3A_607 : memref<1x512x128xf32, #tpu.memory_space<hbm>> -> memref<512x128xf32, #tpu.memory_space<hbm>>
    %dma_wait3A_609 = arith.constant 0 : i32
    %dma_wait3A_610 = tpu.memref_slice %arg5[%add3A_166, %dma_wait3A_609, %mul3A_32] : memref<512x512x256xf32, #tpu.memory_space<hbm>> -> memref<1x512x128xf32, #tpu.memory_space<hbm>>
    %dma_wait3A_611 = tpu.memref_squeeze %dma_wait3A_610 : memref<1x512x128xf32, #tpu.memory_space<hbm>> -> memref<512x128xf32, #tpu.memory_space<hbm>>
    %dma_wait3A_612 = arith.constant 416 : i32
    %dma_wait3A_613 = arith.constant 0 : i32
    %dma_wait3A_614 = tpu.memref_slice %arg6[%dma_wait3A_612, %dma_wait3A_613] : memref<1016x128xf32, #tpu.memory_space<vmem>> -> memref<512x128xf32, #tpu.memory_space<vmem>>
    tpu.wait_dma2 semaphore(%arg7 : memref<!tpu.dma_semaphore, #tpu.memory_space<semaphore_mem>>) src(%dma_wait3A_614 : memref<512x128xf32, #tpu.memory_space<vmem>>) dst(%dma_wait3A_611 : memref<512x128xf32, #tpu.memory_space<hbm>>)
    %dma_wait3A_615 = arith.constant 400 : i32
    %dma_wait3A_616 = arith.constant 0 : i32
    %dma_wait3A_617 = tpu.memref_slice %arg6[%dma_wait3A_615, %dma_wait3A_616] : memref<1016x128xf32, #tpu.memory_space<vmem>> -> memref<512x128xf32, #tpu.memory_space<vmem>>
    %dma_wait3A_618 = arith.constant 0 : i32
    %dma_wait3A_619 = tpu.memref_slice %arg5[%add3A_180, %dma_wait3A_618, %mul3A_32] : memref<512x512x256xf32, #tpu.memory_space<hbm>> -> memref<1x512x128xf32, #tpu.memory_space<hbm>>
    %dma_wait3A_620 = tpu.memref_squeeze %dma_wait3A_619 : memref<1x512x128xf32, #tpu.memory_space<hbm>> -> memref<512x128xf32, #tpu.memory_space<hbm>>
    %dma_wait3A_621 = arith.constant 0 : i32
    %dma_wait3A_622 = tpu.memref_slice %arg5[%add3A_180, %dma_wait3A_621, %mul3A_32] : memref<512x512x256xf32, #tpu.memory_space<hbm>> -> memref<1x512x128xf32, #tpu.memory_space<hbm>>
    %dma_wait3A_623 = tpu.memref_squeeze %dma_wait3A_622 : memref<1x512x128xf32, #tpu.memory_space<hbm>> -> memref<512x128xf32, #tpu.memory_space<hbm>>
    %dma_wait3A_624 = arith.constant 400 : i32
    %dma_wait3A_625 = arith.constant 0 : i32
    %dma_wait3A_626 = tpu.memref_slice %arg6[%dma_wait3A_624, %dma_wait3A_625] : memref<1016x128xf32, #tpu.memory_space<vmem>> -> memref<512x128xf32, #tpu.memory_space<vmem>>
    tpu.wait_dma2 semaphore(%arg7 : memref<!tpu.dma_semaphore, #tpu.memory_space<semaphore_mem>>) src(%dma_wait3A_626 : memref<512x128xf32, #tpu.memory_space<vmem>>) dst(%dma_wait3A_623 : memref<512x128xf32, #tpu.memory_space<hbm>>)
    %dma_wait3A_627 = arith.constant 384 : i32
    %dma_wait3A_628 = arith.constant 0 : i32
    %dma_wait3A_629 = tpu.memref_slice %arg6[%dma_wait3A_627, %dma_wait3A_628] : memref<1016x128xf32, #tpu.memory_space<vmem>> -> memref<512x128xf32, #tpu.memory_space<vmem>>
    %dma_wait3A_630 = arith.constant 0 : i32
    %dma_wait3A_631 = tpu.memref_slice %arg5[%add3A_194, %dma_wait3A_630, %mul3A_32] : memref<512x512x256xf32, #tpu.memory_space<hbm>> -> memref<1x512x128xf32, #tpu.memory_space<hbm>>
    %dma_wait3A_632 = tpu.memref_squeeze %dma_wait3A_631 : memref<1x512x128xf32, #tpu.memory_space<hbm>> -> memref<512x128xf32, #tpu.memory_space<hbm>>
    %dma_wait3A_633 = arith.constant 0 : i32
    %dma_wait3A_634 = tpu.memref_slice %arg5[%add3A_194, %dma_wait3A_633, %mul3A_32] : memref<512x512x256xf32, #tpu.memory_space<hbm>> -> memref<1x512x128xf32, #tpu.memory_space<hbm>>
    %dma_wait3A_635 = tpu.memref_squeeze %dma_wait3A_634 : memref<1x512x128xf32, #tpu.memory_space<hbm>> -> memref<512x128xf32, #tpu.memory_space<hbm>>
    %dma_wait3A_636 = arith.constant 384 : i32
    %dma_wait3A_637 = arith.constant 0 : i32
    %dma_wait3A_638 = tpu.memref_slice %arg6[%dma_wait3A_636, %dma_wait3A_637] : memref<1016x128xf32, #tpu.memory_space<vmem>> -> memref<512x128xf32, #tpu.memory_space<vmem>>
    tpu.wait_dma2 semaphore(%arg7 : memref<!tpu.dma_semaphore, #tpu.memory_space<semaphore_mem>>) src(%dma_wait3A_638 : memref<512x128xf32, #tpu.memory_space<vmem>>) dst(%dma_wait3A_635 : memref<512x128xf32, #tpu.memory_space<hbm>>)
    %dma_wait3A_639 = arith.constant 368 : i32
    %dma_wait3A_640 = arith.constant 0 : i32
    %dma_wait3A_641 = tpu.memref_slice %arg6[%dma_wait3A_639, %dma_wait3A_640] : memref<1016x128xf32, #tpu.memory_space<vmem>> -> memref<512x128xf32, #tpu.memory_space<vmem>>
    %dma_wait3A_642 = arith.constant 0 : i32
    %dma_wait3A_643 = tpu.memref_slice %arg5[%add3A_208, %dma_wait3A_642, %mul3A_32] : memref<512x512x256xf32, #tpu.memory_space<hbm>> -> memref<1x512x128xf32, #tpu.memory_space<hbm>>
    %dma_wait3A_644 = tpu.memref_squeeze %dma_wait3A_643 : memref<1x512x128xf32, #tpu.memory_space<hbm>> -> memref<512x128xf32, #tpu.memory_space<hbm>>
    %dma_wait3A_645 = arith.constant 0 : i32
    %dma_wait3A_646 = tpu.memref_slice %arg5[%add3A_208, %dma_wait3A_645, %mul3A_32] : memref<512x512x256xf32, #tpu.memory_space<hbm>> -> memref<1x512x128xf32, #tpu.memory_space<hbm>>
    %dma_wait3A_647 = tpu.memref_squeeze %dma_wait3A_646 : memref<1x512x128xf32, #tpu.memory_space<hbm>> -> memref<512x128xf32, #tpu.memory_space<hbm>>
    %dma_wait3A_648 = arith.constant 368 : i32
    %dma_wait3A_649 = arith.constant 0 : i32
    %dma_wait3A_650 = tpu.memref_slice %arg6[%dma_wait3A_648, %dma_wait3A_649] : memref<1016x128xf32, #tpu.memory_space<vmem>> -> memref<512x128xf32, #tpu.memory_space<vmem>>
    tpu.wait_dma2 semaphore(%arg7 : memref<!tpu.dma_semaphore, #tpu.memory_space<semaphore_mem>>) src(%dma_wait3A_650 : memref<512x128xf32, #tpu.memory_space<vmem>>) dst(%dma_wait3A_647 : memref<512x128xf32, #tpu.memory_space<hbm>>)
    %dma_wait3A_651 = arith.constant 352 : i32
    %dma_wait3A_652 = arith.constant 0 : i32
    %dma_wait3A_653 = tpu.memref_slice %arg6[%dma_wait3A_651, %dma_wait3A_652] : memref<1016x128xf32, #tpu.memory_space<vmem>> -> memref<512x128xf32, #tpu.memory_space<vmem>>
    %dma_wait3A_654 = arith.constant 0 : i32
    %dma_wait3A_655 = tpu.memref_slice %arg5[%add3A_222, %dma_wait3A_654, %mul3A_32] : memref<512x512x256xf32, #tpu.memory_space<hbm>> -> memref<1x512x128xf32, #tpu.memory_space<hbm>>
    %dma_wait3A_656 = tpu.memref_squeeze %dma_wait3A_655 : memref<1x512x128xf32, #tpu.memory_space<hbm>> -> memref<512x128xf32, #tpu.memory_space<hbm>>
    %dma_wait3A_657 = arith.constant 0 : i32
    %dma_wait3A_658 = tpu.memref_slice %arg5[%add3A_222, %dma_wait3A_657, %mul3A_32] : memref<512x512x256xf32, #tpu.memory_space<hbm>> -> memref<1x512x128xf32, #tpu.memory_space<hbm>>
    %dma_wait3A_659 = tpu.memref_squeeze %dma_wait3A_658 : memref<1x512x128xf32, #tpu.memory_space<hbm>> -> memref<512x128xf32, #tpu.memory_space<hbm>>
    %dma_wait3A_660 = arith.constant 352 : i32
    %dma_wait3A_661 = arith.constant 0 : i32
    %dma_wait3A_662 = tpu.memref_slice %arg6[%dma_wait3A_660, %dma_wait3A_661] : memref<1016x128xf32, #tpu.memory_space<vmem>> -> memref<512x128xf32, #tpu.memory_space<vmem>>
    tpu.wait_dma2 semaphore(%arg7 : memref<!tpu.dma_semaphore, #tpu.memory_space<semaphore_mem>>) src(%dma_wait3A_662 : memref<512x128xf32, #tpu.memory_space<vmem>>) dst(%dma_wait3A_659 : memref<512x128xf32, #tpu.memory_space<hbm>>)
    %dma_wait3A_663 = arith.constant 336 : i32
    %dma_wait3A_664 = arith.constant 0 : i32
    %dma_wait3A_665 = tpu.memref_slice %arg6[%dma_wait3A_663, %dma_wait3A_664] : memref<1016x128xf32, #tpu.memory_space<vmem>> -> memref<512x128xf32, #tpu.memory_space<vmem>>
    %dma_wait3A_666 = arith.constant 0 : i32
    %dma_wait3A_667 = tpu.memref_slice %arg5[%add3A_236, %dma_wait3A_666, %mul3A_32] : memref<512x512x256xf32, #tpu.memory_space<hbm>> -> memref<1x512x128xf32, #tpu.memory_space<hbm>>
    %dma_wait3A_668 = tpu.memref_squeeze %dma_wait3A_667 : memref<1x512x128xf32, #tpu.memory_space<hbm>> -> memref<512x128xf32, #tpu.memory_space<hbm>>
    %dma_wait3A_669 = arith.constant 0 : i32
    %dma_wait3A_670 = tpu.memref_slice %arg5[%add3A_236, %dma_wait3A_669, %mul3A_32] : memref<512x512x256xf32, #tpu.memory_space<hbm>> -> memref<1x512x128xf32, #tpu.memory_space<hbm>>
    %dma_wait3A_671 = tpu.memref_squeeze %dma_wait3A_670 : memref<1x512x128xf32, #tpu.memory_space<hbm>> -> memref<512x128xf32, #tpu.memory_space<hbm>>
    %dma_wait3A_672 = arith.constant 336 : i32
    %dma_wait3A_673 = arith.constant 0 : i32
    %dma_wait3A_674 = tpu.memref_slice %arg6[%dma_wait3A_672, %dma_wait3A_673] : memref<1016x128xf32, #tpu.memory_space<vmem>> -> memref<512x128xf32, #tpu.memory_space<vmem>>
    tpu.wait_dma2 semaphore(%arg7 : memref<!tpu.dma_semaphore, #tpu.memory_space<semaphore_mem>>) src(%dma_wait3A_674 : memref<512x128xf32, #tpu.memory_space<vmem>>) dst(%dma_wait3A_671 : memref<512x128xf32, #tpu.memory_space<hbm>>)
    %dma_wait3A_675 = arith.constant 320 : i32
    %dma_wait3A_676 = arith.constant 0 : i32
    %dma_wait3A_677 = tpu.memref_slice %arg6[%dma_wait3A_675, %dma_wait3A_676] : memref<1016x128xf32, #tpu.memory_space<vmem>> -> memref<512x128xf32, #tpu.memory_space<vmem>>
    %dma_wait3A_678 = arith.constant 0 : i32
    %dma_wait3A_679 = tpu.memref_slice %arg5[%add3A_250, %dma_wait3A_678, %mul3A_32] : memref<512x512x256xf32, #tpu.memory_space<hbm>> -> memref<1x512x128xf32, #tpu.memory_space<hbm>>
    %dma_wait3A_680 = tpu.memref_squeeze %dma_wait3A_679 : memref<1x512x128xf32, #tpu.memory_space<hbm>> -> memref<512x128xf32, #tpu.memory_space<hbm>>
    %dma_wait3A_681 = arith.constant 0 : i32
    %dma_wait3A_682 = tpu.memref_slice %arg5[%add3A_250, %dma_wait3A_681, %mul3A_32] : memref<512x512x256xf32, #tpu.memory_space<hbm>> -> memref<1x512x128xf32, #tpu.memory_space<hbm>>
    %dma_wait3A_683 = tpu.memref_squeeze %dma_wait3A_682 : memref<1x512x128xf32, #tpu.memory_space<hbm>> -> memref<512x128xf32, #tpu.memory_space<hbm>>
    %dma_wait3A_684 = arith.constant 320 : i32
    %dma_wait3A_685 = arith.constant 0 : i32
    %dma_wait3A_686 = tpu.memref_slice %arg6[%dma_wait3A_684, %dma_wait3A_685] : memref<1016x128xf32, #tpu.memory_space<vmem>> -> memref<512x128xf32, #tpu.memory_space<vmem>>
    tpu.wait_dma2 semaphore(%arg7 : memref<!tpu.dma_semaphore, #tpu.memory_space<semaphore_mem>>) src(%dma_wait3A_686 : memref<512x128xf32, #tpu.memory_space<vmem>>) dst(%dma_wait3A_683 : memref<512x128xf32, #tpu.memory_space<hbm>>)
    %dma_wait3A_687 = arith.constant 304 : i32
    %dma_wait3A_688 = arith.constant 0 : i32
    %dma_wait3A_689 = tpu.memref_slice %arg6[%dma_wait3A_687, %dma_wait3A_688] : memref<1016x128xf32, #tpu.memory_space<vmem>> -> memref<512x128xf32, #tpu.memory_space<vmem>>
    %dma_wait3A_690 = arith.constant 0 : i32
    %dma_wait3A_691 = tpu.memref_slice %arg5[%add3A_264, %dma_wait3A_690, %mul3A_32] : memref<512x512x256xf32, #tpu.memory_space<hbm>> -> memref<1x512x128xf32, #tpu.memory_space<hbm>>
    %dma_wait3A_692 = tpu.memref_squeeze %dma_wait3A_691 : memref<1x512x128xf32, #tpu.memory_space<hbm>> -> memref<512x128xf32, #tpu.memory_space<hbm>>
    %dma_wait3A_693 = arith.constant 0 : i32
    %dma_wait3A_694 = tpu.memref_slice %arg5[%add3A_264, %dma_wait3A_693, %mul3A_32] : memref<512x512x256xf32, #tpu.memory_space<hbm>> -> memref<1x512x128xf32, #tpu.memory_space<hbm>>
    %dma_wait3A_695 = tpu.memref_squeeze %dma_wait3A_694 : memref<1x512x128xf32, #tpu.memory_space<hbm>> -> memref<512x128xf32, #tpu.memory_space<hbm>>
    %dma_wait3A_696 = arith.constant 304 : i32
    %dma_wait3A_697 = arith.constant 0 : i32
    %dma_wait3A_698 = tpu.memref_slice %arg6[%dma_wait3A_696, %dma_wait3A_697] : memref<1016x128xf32, #tpu.memory_space<vmem>> -> memref<512x128xf32, #tpu.memory_space<vmem>>
    tpu.wait_dma2 semaphore(%arg7 : memref<!tpu.dma_semaphore, #tpu.memory_space<semaphore_mem>>) src(%dma_wait3A_698 : memref<512x128xf32, #tpu.memory_space<vmem>>) dst(%dma_wait3A_695 : memref<512x128xf32, #tpu.memory_space<hbm>>)
    %dma_wait3A_699 = arith.constant 288 : i32
    %dma_wait3A_700 = arith.constant 0 : i32
    %dma_wait3A_701 = tpu.memref_slice %arg6[%dma_wait3A_699, %dma_wait3A_700] : memref<1016x128xf32, #tpu.memory_space<vmem>> -> memref<512x128xf32, #tpu.memory_space<vmem>>
    %dma_wait3A_702 = arith.constant 0 : i32
    %dma_wait3A_703 = tpu.memref_slice %arg5[%add3A_278, %dma_wait3A_702, %mul3A_32] : memref<512x512x256xf32, #tpu.memory_space<hbm>> -> memref<1x512x128xf32, #tpu.memory_space<hbm>>
    %dma_wait3A_704 = tpu.memref_squeeze %dma_wait3A_703 : memref<1x512x128xf32, #tpu.memory_space<hbm>> -> memref<512x128xf32, #tpu.memory_space<hbm>>
    %dma_wait3A_705 = arith.constant 0 : i32
    %dma_wait3A_706 = tpu.memref_slice %arg5[%add3A_278, %dma_wait3A_705, %mul3A_32] : memref<512x512x256xf32, #tpu.memory_space<hbm>> -> memref<1x512x128xf32, #tpu.memory_space<hbm>>
    %dma_wait3A_707 = tpu.memref_squeeze %dma_wait3A_706 : memref<1x512x128xf32, #tpu.memory_space<hbm>> -> memref<512x128xf32, #tpu.memory_space<hbm>>
    %dma_wait3A_708 = arith.constant 288 : i32
    %dma_wait3A_709 = arith.constant 0 : i32
    %dma_wait3A_710 = tpu.memref_slice %arg6[%dma_wait3A_708, %dma_wait3A_709] : memref<1016x128xf32, #tpu.memory_space<vmem>> -> memref<512x128xf32, #tpu.memory_space<vmem>>
    tpu.wait_dma2 semaphore(%arg7 : memref<!tpu.dma_semaphore, #tpu.memory_space<semaphore_mem>>) src(%dma_wait3A_710 : memref<512x128xf32, #tpu.memory_space<vmem>>) dst(%dma_wait3A_707 : memref<512x128xf32, #tpu.memory_space<hbm>>)
    %dma_wait3A_711 = arith.constant 272 : i32
    %dma_wait3A_712 = arith.constant 0 : i32
    %dma_wait3A_713 = tpu.memref_slice %arg6[%dma_wait3A_711, %dma_wait3A_712] : memref<1016x128xf32, #tpu.memory_space<vmem>> -> memref<512x128xf32, #tpu.memory_space<vmem>>
    %dma_wait3A_714 = arith.constant 0 : i32
    %dma_wait3A_715 = tpu.memref_slice %arg5[%add3A_292, %dma_wait3A_714, %mul3A_32] : memref<512x512x256xf32, #tpu.memory_space<hbm>> -> memref<1x512x128xf32, #tpu.memory_space<hbm>>
    %dma_wait3A_716 = tpu.memref_squeeze %dma_wait3A_715 : memref<1x512x128xf32, #tpu.memory_space<hbm>> -> memref<512x128xf32, #tpu.memory_space<hbm>>
    %dma_wait3A_717 = arith.constant 0 : i32
    %dma_wait3A_718 = tpu.memref_slice %arg5[%add3A_292, %dma_wait3A_717, %mul3A_32] : memref<512x512x256xf32, #tpu.memory_space<hbm>> -> memref<1x512x128xf32, #tpu.memory_space<hbm>>
    %dma_wait3A_719 = tpu.memref_squeeze %dma_wait3A_718 : memref<1x512x128xf32, #tpu.memory_space<hbm>> -> memref<512x128xf32, #tpu.memory_space<hbm>>
    %dma_wait3A_720 = arith.constant 272 : i32
    %dma_wait3A_721 = arith.constant 0 : i32
    %dma_wait3A_722 = tpu.memref_slice %arg6[%dma_wait3A_720, %dma_wait3A_721] : memref<1016x128xf32, #tpu.memory_space<vmem>> -> memref<512x128xf32, #tpu.memory_space<vmem>>
    tpu.wait_dma2 semaphore(%arg7 : memref<!tpu.dma_semaphore, #tpu.memory_space<semaphore_mem>>) src(%dma_wait3A_722 : memref<512x128xf32, #tpu.memory_space<vmem>>) dst(%dma_wait3A_719 : memref<512x128xf32, #tpu.memory_space<hbm>>)
    %dma_wait3A_723 = arith.constant 256 : i32
    %dma_wait3A_724 = arith.constant 0 : i32
    %dma_wait3A_725 = tpu.memref_slice %arg6[%dma_wait3A_723, %dma_wait3A_724] : memref<1016x128xf32, #tpu.memory_space<vmem>> -> memref<512x128xf32, #tpu.memory_space<vmem>>
    %dma_wait3A_726 = arith.constant 0 : i32
    %dma_wait3A_727 = tpu.memref_slice %arg5[%add3A_306, %dma_wait3A_726, %mul3A_32] : memref<512x512x256xf32, #tpu.memory_space<hbm>> -> memref<1x512x128xf32, #tpu.memory_space<hbm>>
    %dma_wait3A_728 = tpu.memref_squeeze %dma_wait3A_727 : memref<1x512x128xf32, #tpu.memory_space<hbm>> -> memref<512x128xf32, #tpu.memory_space<hbm>>
    %dma_wait3A_729 = arith.constant 0 : i32
    %dma_wait3A_730 = tpu.memref_slice %arg5[%add3A_306, %dma_wait3A_729, %mul3A_32] : memref<512x512x256xf32, #tpu.memory_space<hbm>> -> memref<1x512x128xf32, #tpu.memory_space<hbm>>
    %dma_wait3A_731 = tpu.memref_squeeze %dma_wait3A_730 : memref<1x512x128xf32, #tpu.memory_space<hbm>> -> memref<512x128xf32, #tpu.memory_space<hbm>>
    %dma_wait3A_732 = arith.constant 256 : i32
    %dma_wait3A_733 = arith.constant 0 : i32
    %dma_wait3A_734 = tpu.memref_slice %arg6[%dma_wait3A_732, %dma_wait3A_733] : memref<1016x128xf32, #tpu.memory_space<vmem>> -> memref<512x128xf32, #tpu.memory_space<vmem>>
    tpu.wait_dma2 semaphore(%arg7 : memref<!tpu.dma_semaphore, #tpu.memory_space<semaphore_mem>>) src(%dma_wait3A_734 : memref<512x128xf32, #tpu.memory_space<vmem>>) dst(%dma_wait3A_731 : memref<512x128xf32, #tpu.memory_space<hbm>>)
    %dma_wait3A_735 = arith.constant 240 : i32
    %dma_wait3A_736 = arith.constant 0 : i32
    %dma_wait3A_737 = tpu.memref_slice %arg6[%dma_wait3A_735, %dma_wait3A_736] : memref<1016x128xf32, #tpu.memory_space<vmem>> -> memref<512x128xf32, #tpu.memory_space<vmem>>
    %dma_wait3A_738 = arith.constant 0 : i32
    %dma_wait3A_739 = tpu.memref_slice %arg5[%add3A_320, %dma_wait3A_738, %mul3A_32] : memref<512x512x256xf32, #tpu.memory_space<hbm>> -> memref<1x512x128xf32, #tpu.memory_space<hbm>>
    %dma_wait3A_740 = tpu.memref_squeeze %dma_wait3A_739 : memref<1x512x128xf32, #tpu.memory_space<hbm>> -> memref<512x128xf32, #tpu.memory_space<hbm>>
    %dma_wait3A_741 = arith.constant 0 : i32
    %dma_wait3A_742 = tpu.memref_slice %arg5[%add3A_320, %dma_wait3A_741, %mul3A_32] : memref<512x512x256xf32, #tpu.memory_space<hbm>> -> memref<1x512x128xf32, #tpu.memory_space<hbm>>
    %dma_wait3A_743 = tpu.memref_squeeze %dma_wait3A_742 : memref<1x512x128xf32, #tpu.memory_space<hbm>> -> memref<512x128xf32, #tpu.memory_space<hbm>>
    %dma_wait3A_744 = arith.constant 240 : i32
    %dma_wait3A_745 = arith.constant 0 : i32
    %dma_wait3A_746 = tpu.memref_slice %arg6[%dma_wait3A_744, %dma_wait3A_745] : memref<1016x128xf32, #tpu.memory_space<vmem>> -> memref<512x128xf32, #tpu.memory_space<vmem>>
    tpu.wait_dma2 semaphore(%arg7 : memref<!tpu.dma_semaphore, #tpu.memory_space<semaphore_mem>>) src(%dma_wait3A_746 : memref<512x128xf32, #tpu.memory_space<vmem>>) dst(%dma_wait3A_743 : memref<512x128xf32, #tpu.memory_space<hbm>>)
    %dma_wait3A_747 = arith.constant 224 : i32
    %dma_wait3A_748 = arith.constant 0 : i32
    %dma_wait3A_749 = tpu.memref_slice %arg6[%dma_wait3A_747, %dma_wait3A_748] : memref<1016x128xf32, #tpu.memory_space<vmem>> -> memref<512x128xf32, #tpu.memory_space<vmem>>
    %dma_wait3A_750 = arith.constant 0 : i32
    %dma_wait3A_751 = tpu.memref_slice %arg5[%add3A_334, %dma_wait3A_750, %mul3A_32] : memref<512x512x256xf32, #tpu.memory_space<hbm>> -> memref<1x512x128xf32, #tpu.memory_space<hbm>>
    %dma_wait3A_752 = tpu.memref_squeeze %dma_wait3A_751 : memref<1x512x128xf32, #tpu.memory_space<hbm>> -> memref<512x128xf32, #tpu.memory_space<hbm>>
    %dma_wait3A_753 = arith.constant 0 : i32
    %dma_wait3A_754 = tpu.memref_slice %arg5[%add3A_334, %dma_wait3A_753, %mul3A_32] : memref<512x512x256xf32, #tpu.memory_space<hbm>> -> memref<1x512x128xf32, #tpu.memory_space<hbm>>
    %dma_wait3A_755 = tpu.memref_squeeze %dma_wait3A_754 : memref<1x512x128xf32, #tpu.memory_space<hbm>> -> memref<512x128xf32, #tpu.memory_space<hbm>>
    %dma_wait3A_756 = arith.constant 224 : i32
    %dma_wait3A_757 = arith.constant 0 : i32
    %dma_wait3A_758 = tpu.memref_slice %arg6[%dma_wait3A_756, %dma_wait3A_757] : memref<1016x128xf32, #tpu.memory_space<vmem>> -> memref<512x128xf32, #tpu.memory_space<vmem>>
    tpu.wait_dma2 semaphore(%arg7 : memref<!tpu.dma_semaphore, #tpu.memory_space<semaphore_mem>>) src(%dma_wait3A_758 : memref<512x128xf32, #tpu.memory_space<vmem>>) dst(%dma_wait3A_755 : memref<512x128xf32, #tpu.memory_space<hbm>>)
    %dma_wait3A_759 = arith.constant 208 : i32
    %dma_wait3A_760 = arith.constant 0 : i32
    %dma_wait3A_761 = tpu.memref_slice %arg6[%dma_wait3A_759, %dma_wait3A_760] : memref<1016x128xf32, #tpu.memory_space<vmem>> -> memref<512x128xf32, #tpu.memory_space<vmem>>
    %dma_wait3A_762 = arith.constant 0 : i32
    %dma_wait3A_763 = tpu.memref_slice %arg5[%add3A_348, %dma_wait3A_762, %mul3A_32] : memref<512x512x256xf32, #tpu.memory_space<hbm>> -> memref<1x512x128xf32, #tpu.memory_space<hbm>>
    %dma_wait3A_764 = tpu.memref_squeeze %dma_wait3A_763 : memref<1x512x128xf32, #tpu.memory_space<hbm>> -> memref<512x128xf32, #tpu.memory_space<hbm>>
    %dma_wait3A_765 = arith.constant 0 : i32
    %dma_wait3A_766 = tpu.memref_slice %arg5[%add3A_348, %dma_wait3A_765, %mul3A_32] : memref<512x512x256xf32, #tpu.memory_space<hbm>> -> memref<1x512x128xf32, #tpu.memory_space<hbm>>
    %dma_wait3A_767 = tpu.memref_squeeze %dma_wait3A_766 : memref<1x512x128xf32, #tpu.memory_space<hbm>> -> memref<512x128xf32, #tpu.memory_space<hbm>>
    %dma_wait3A_768 = arith.constant 208 : i32
    %dma_wait3A_769 = arith.constant 0 : i32
    %dma_wait3A_770 = tpu.memref_slice %arg6[%dma_wait3A_768, %dma_wait3A_769] : memref<1016x128xf32, #tpu.memory_space<vmem>> -> memref<512x128xf32, #tpu.memory_space<vmem>>
    tpu.wait_dma2 semaphore(%arg7 : memref<!tpu.dma_semaphore, #tpu.memory_space<semaphore_mem>>) src(%dma_wait3A_770 : memref<512x128xf32, #tpu.memory_space<vmem>>) dst(%dma_wait3A_767 : memref<512x128xf32, #tpu.memory_space<hbm>>)
    %dma_wait3A_771 = arith.constant 192 : i32
    %dma_wait3A_772 = arith.constant 0 : i32
    %dma_wait3A_773 = tpu.memref_slice %arg6[%dma_wait3A_771, %dma_wait3A_772] : memref<1016x128xf32, #tpu.memory_space<vmem>> -> memref<512x128xf32, #tpu.memory_space<vmem>>
    %dma_wait3A_774 = arith.constant 0 : i32
    %dma_wait3A_775 = tpu.memref_slice %arg5[%add3A_362, %dma_wait3A_774, %mul3A_32] : memref<512x512x256xf32, #tpu.memory_space<hbm>> -> memref<1x512x128xf32, #tpu.memory_space<hbm>>
    %dma_wait3A_776 = tpu.memref_squeeze %dma_wait3A_775 : memref<1x512x128xf32, #tpu.memory_space<hbm>> -> memref<512x128xf32, #tpu.memory_space<hbm>>
    %dma_wait3A_777 = arith.constant 0 : i32
    %dma_wait3A_778 = tpu.memref_slice %arg5[%add3A_362, %dma_wait3A_777, %mul3A_32] : memref<512x512x256xf32, #tpu.memory_space<hbm>> -> memref<1x512x128xf32, #tpu.memory_space<hbm>>
    %dma_wait3A_779 = tpu.memref_squeeze %dma_wait3A_778 : memref<1x512x128xf32, #tpu.memory_space<hbm>> -> memref<512x128xf32, #tpu.memory_space<hbm>>
    %dma_wait3A_780 = arith.constant 192 : i32
    %dma_wait3A_781 = arith.constant 0 : i32
    %dma_wait3A_782 = tpu.memref_slice %arg6[%dma_wait3A_780, %dma_wait3A_781] : memref<1016x128xf32, #tpu.memory_space<vmem>> -> memref<512x128xf32, #tpu.memory_space<vmem>>
    tpu.wait_dma2 semaphore(%arg7 : memref<!tpu.dma_semaphore, #tpu.memory_space<semaphore_mem>>) src(%dma_wait3A_782 : memref<512x128xf32, #tpu.memory_space<vmem>>) dst(%dma_wait3A_779 : memref<512x128xf32, #tpu.memory_space<hbm>>)
    %dma_wait3A_783 = arith.constant 176 : i32
    %dma_wait3A_784 = arith.constant 0 : i32
    %dma_wait3A_785 = tpu.memref_slice %arg6[%dma_wait3A_783, %dma_wait3A_784] : memref<1016x128xf32, #tpu.memory_space<vmem>> -> memref<512x128xf32, #tpu.memory_space<vmem>>
    %dma_wait3A_786 = arith.constant 0 : i32
    %dma_wait3A_787 = tpu.memref_slice %arg5[%add3A_376, %dma_wait3A_786, %mul3A_32] : memref<512x512x256xf32, #tpu.memory_space<hbm>> -> memref<1x512x128xf32, #tpu.memory_space<hbm>>
    %dma_wait3A_788 = tpu.memref_squeeze %dma_wait3A_787 : memref<1x512x128xf32, #tpu.memory_space<hbm>> -> memref<512x128xf32, #tpu.memory_space<hbm>>
    %dma_wait3A_789 = arith.constant 0 : i32
    %dma_wait3A_790 = tpu.memref_slice %arg5[%add3A_376, %dma_wait3A_789, %mul3A_32] : memref<512x512x256xf32, #tpu.memory_space<hbm>> -> memref<1x512x128xf32, #tpu.memory_space<hbm>>
    %dma_wait3A_791 = tpu.memref_squeeze %dma_wait3A_790 : memref<1x512x128xf32, #tpu.memory_space<hbm>> -> memref<512x128xf32, #tpu.memory_space<hbm>>
    %dma_wait3A_792 = arith.constant 176 : i32
    %dma_wait3A_793 = arith.constant 0 : i32
    %dma_wait3A_794 = tpu.memref_slice %arg6[%dma_wait3A_792, %dma_wait3A_793] : memref<1016x128xf32, #tpu.memory_space<vmem>> -> memref<512x128xf32, #tpu.memory_space<vmem>>
    tpu.wait_dma2 semaphore(%arg7 : memref<!tpu.dma_semaphore, #tpu.memory_space<semaphore_mem>>) src(%dma_wait3A_794 : memref<512x128xf32, #tpu.memory_space<vmem>>) dst(%dma_wait3A_791 : memref<512x128xf32, #tpu.memory_space<hbm>>)
    %dma_wait3A_795 = arith.constant 160 : i32
    %dma_wait3A_796 = arith.constant 0 : i32
    %dma_wait3A_797 = tpu.memref_slice %arg6[%dma_wait3A_795, %dma_wait3A_796] : memref<1016x128xf32, #tpu.memory_space<vmem>> -> memref<512x128xf32, #tpu.memory_space<vmem>>
    %dma_wait3A_798 = arith.constant 0 : i32
    %dma_wait3A_799 = tpu.memref_slice %arg5[%add3A_390, %dma_wait3A_798, %mul3A_32] : memref<512x512x256xf32, #tpu.memory_space<hbm>> -> memref<1x512x128xf32, #tpu.memory_space<hbm>>
    %dma_wait3A_800 = tpu.memref_squeeze %dma_wait3A_799 : memref<1x512x128xf32, #tpu.memory_space<hbm>> -> memref<512x128xf32, #tpu.memory_space<hbm>>
    %dma_wait3A_801 = arith.constant 0 : i32
    %dma_wait3A_802 = tpu.memref_slice %arg5[%add3A_390, %dma_wait3A_801, %mul3A_32] : memref<512x512x256xf32, #tpu.memory_space<hbm>> -> memref<1x512x128xf32, #tpu.memory_space<hbm>>
    %dma_wait3A_803 = tpu.memref_squeeze %dma_wait3A_802 : memref<1x512x128xf32, #tpu.memory_space<hbm>> -> memref<512x128xf32, #tpu.memory_space<hbm>>
    %dma_wait3A_804 = arith.constant 160 : i32
    %dma_wait3A_805 = arith.constant 0 : i32
    %dma_wait3A_806 = tpu.memref_slice %arg6[%dma_wait3A_804, %dma_wait3A_805] : memref<1016x128xf32, #tpu.memory_space<vmem>> -> memref<512x128xf32, #tpu.memory_space<vmem>>
    tpu.wait_dma2 semaphore(%arg7 : memref<!tpu.dma_semaphore, #tpu.memory_space<semaphore_mem>>) src(%dma_wait3A_806 : memref<512x128xf32, #tpu.memory_space<vmem>>) dst(%dma_wait3A_803 : memref<512x128xf32, #tpu.memory_space<hbm>>)
    %dma_wait3A_807 = arith.constant 144 : i32
    %dma_wait3A_808 = arith.constant 0 : i32
    %dma_wait3A_809 = tpu.memref_slice %arg6[%dma_wait3A_807, %dma_wait3A_808] : memref<1016x128xf32, #tpu.memory_space<vmem>> -> memref<512x128xf32, #tpu.memory_space<vmem>>
    %dma_wait3A_810 = arith.constant 0 : i32
    %dma_wait3A_811 = tpu.memref_slice %arg5[%add3A_404, %dma_wait3A_810, %mul3A_32] : memref<512x512x256xf32, #tpu.memory_space<hbm>> -> memref<1x512x128xf32, #tpu.memory_space<hbm>>
    %dma_wait3A_812 = tpu.memref_squeeze %dma_wait3A_811 : memref<1x512x128xf32, #tpu.memory_space<hbm>> -> memref<512x128xf32, #tpu.memory_space<hbm>>
    %dma_wait3A_813 = arith.constant 0 : i32
    %dma_wait3A_814 = tpu.memref_slice %arg5[%add3A_404, %dma_wait3A_813, %mul3A_32] : memref<512x512x256xf32, #tpu.memory_space<hbm>> -> memref<1x512x128xf32, #tpu.memory_space<hbm>>
    %dma_wait3A_815 = tpu.memref_squeeze %dma_wait3A_814 : memref<1x512x128xf32, #tpu.memory_space<hbm>> -> memref<512x128xf32, #tpu.memory_space<hbm>>
    %dma_wait3A_816 = arith.constant 144 : i32
    %dma_wait3A_817 = arith.constant 0 : i32
    %dma_wait3A_818 = tpu.memref_slice %arg6[%dma_wait3A_816, %dma_wait3A_817] : memref<1016x128xf32, #tpu.memory_space<vmem>> -> memref<512x128xf32, #tpu.memory_space<vmem>>
    tpu.wait_dma2 semaphore(%arg7 : memref<!tpu.dma_semaphore, #tpu.memory_space<semaphore_mem>>) src(%dma_wait3A_818 : memref<512x128xf32, #tpu.memory_space<vmem>>) dst(%dma_wait3A_815 : memref<512x128xf32, #tpu.memory_space<hbm>>)
    %dma_wait3A_819 = arith.constant 128 : i32
    %dma_wait3A_820 = arith.constant 0 : i32
    %dma_wait3A_821 = tpu.memref_slice %arg6[%dma_wait3A_819, %dma_wait3A_820] : memref<1016x128xf32, #tpu.memory_space<vmem>> -> memref<512x128xf32, #tpu.memory_space<vmem>>
    %dma_wait3A_822 = arith.constant 0 : i32
    %dma_wait3A_823 = tpu.memref_slice %arg5[%add3A_418, %dma_wait3A_822, %mul3A_32] : memref<512x512x256xf32, #tpu.memory_space<hbm>> -> memref<1x512x128xf32, #tpu.memory_space<hbm>>
    %dma_wait3A_824 = tpu.memref_squeeze %dma_wait3A_823 : memref<1x512x128xf32, #tpu.memory_space<hbm>> -> memref<512x128xf32, #tpu.memory_space<hbm>>
    %dma_wait3A_825 = arith.constant 0 : i32
    %dma_wait3A_826 = tpu.memref_slice %arg5[%add3A_418, %dma_wait3A_825, %mul3A_32] : memref<512x512x256xf32, #tpu.memory_space<hbm>> -> memref<1x512x128xf32, #tpu.memory_space<hbm>>
    %dma_wait3A_827 = tpu.memref_squeeze %dma_wait3A_826 : memref<1x512x128xf32, #tpu.memory_space<hbm>> -> memref<512x128xf32, #tpu.memory_space<hbm>>
    %dma_wait3A_828 = arith.constant 128 : i32
    %dma_wait3A_829 = arith.constant 0 : i32
    %dma_wait3A_830 = tpu.memref_slice %arg6[%dma_wait3A_828, %dma_wait3A_829] : memref<1016x128xf32, #tpu.memory_space<vmem>> -> memref<512x128xf32, #tpu.memory_space<vmem>>
    tpu.wait_dma2 semaphore(%arg7 : memref<!tpu.dma_semaphore, #tpu.memory_space<semaphore_mem>>) src(%dma_wait3A_830 : memref<512x128xf32, #tpu.memory_space<vmem>>) dst(%dma_wait3A_827 : memref<512x128xf32, #tpu.memory_space<hbm>>)
    %dma_wait3A_831 = arith.constant 112 : i32
    %dma_wait3A_832 = arith.constant 0 : i32
    %dma_wait3A_833 = tpu.memref_slice %arg6[%dma_wait3A_831, %dma_wait3A_832] : memref<1016x128xf32, #tpu.memory_space<vmem>> -> memref<512x128xf32, #tpu.memory_space<vmem>>
    %dma_wait3A_834 = arith.constant 0 : i32
    %dma_wait3A_835 = tpu.memref_slice %arg5[%add3A_432, %dma_wait3A_834, %mul3A_32] : memref<512x512x256xf32, #tpu.memory_space<hbm>> -> memref<1x512x128xf32, #tpu.memory_space<hbm>>
    %dma_wait3A_836 = tpu.memref_squeeze %dma_wait3A_835 : memref<1x512x128xf32, #tpu.memory_space<hbm>> -> memref<512x128xf32, #tpu.memory_space<hbm>>
    %dma_wait3A_837 = arith.constant 0 : i32
    %dma_wait3A_838 = tpu.memref_slice %arg5[%add3A_432, %dma_wait3A_837, %mul3A_32] : memref<512x512x256xf32, #tpu.memory_space<hbm>> -> memref<1x512x128xf32, #tpu.memory_space<hbm>>
    %dma_wait3A_839 = tpu.memref_squeeze %dma_wait3A_838 : memref<1x512x128xf32, #tpu.memory_space<hbm>> -> memref<512x128xf32, #tpu.memory_space<hbm>>
    %dma_wait3A_840 = arith.constant 112 : i32
    %dma_wait3A_841 = arith.constant 0 : i32
    %dma_wait3A_842 = tpu.memref_slice %arg6[%dma_wait3A_840, %dma_wait3A_841] : memref<1016x128xf32, #tpu.memory_space<vmem>> -> memref<512x128xf32, #tpu.memory_space<vmem>>
    tpu.wait_dma2 semaphore(%arg7 : memref<!tpu.dma_semaphore, #tpu.memory_space<semaphore_mem>>) src(%dma_wait3A_842 : memref<512x128xf32, #tpu.memory_space<vmem>>) dst(%dma_wait3A_839 : memref<512x128xf32, #tpu.memory_space<hbm>>)
    %dma_wait3A_843 = arith.constant 96 : i32
    %dma_wait3A_844 = arith.constant 0 : i32
    %dma_wait3A_845 = tpu.memref_slice %arg6[%dma_wait3A_843, %dma_wait3A_844] : memref<1016x128xf32, #tpu.memory_space<vmem>> -> memref<512x128xf32, #tpu.memory_space<vmem>>
    %dma_wait3A_846 = arith.constant 0 : i32
    %dma_wait3A_847 = tpu.memref_slice %arg5[%add3A_446, %dma_wait3A_846, %mul3A_32] : memref<512x512x256xf32, #tpu.memory_space<hbm>> -> memref<1x512x128xf32, #tpu.memory_space<hbm>>
    %dma_wait3A_848 = tpu.memref_squeeze %dma_wait3A_847 : memref<1x512x128xf32, #tpu.memory_space<hbm>> -> memref<512x128xf32, #tpu.memory_space<hbm>>
    %dma_wait3A_849 = arith.constant 0 : i32
    %dma_wait3A_850 = tpu.memref_slice %arg5[%add3A_446, %dma_wait3A_849, %mul3A_32] : memref<512x512x256xf32, #tpu.memory_space<hbm>> -> memref<1x512x128xf32, #tpu.memory_space<hbm>>
    %dma_wait3A_851 = tpu.memref_squeeze %dma_wait3A_850 : memref<1x512x128xf32, #tpu.memory_space<hbm>> -> memref<512x128xf32, #tpu.memory_space<hbm>>
    %dma_wait3A_852 = arith.constant 96 : i32
    %dma_wait3A_853 = arith.constant 0 : i32
    %dma_wait3A_854 = tpu.memref_slice %arg6[%dma_wait3A_852, %dma_wait3A_853] : memref<1016x128xf32, #tpu.memory_space<vmem>> -> memref<512x128xf32, #tpu.memory_space<vmem>>
    tpu.wait_dma2 semaphore(%arg7 : memref<!tpu.dma_semaphore, #tpu.memory_space<semaphore_mem>>) src(%dma_wait3A_854 : memref<512x128xf32, #tpu.memory_space<vmem>>) dst(%dma_wait3A_851 : memref<512x128xf32, #tpu.memory_space<hbm>>)
    %dma_wait3A_855 = arith.constant 80 : i32
    %dma_wait3A_856 = arith.constant 0 : i32
    %dma_wait3A_857 = tpu.memref_slice %arg6[%dma_wait3A_855, %dma_wait3A_856] : memref<1016x128xf32, #tpu.memory_space<vmem>> -> memref<512x128xf32, #tpu.memory_space<vmem>>
    %dma_wait3A_858 = arith.constant 0 : i32
    %dma_wait3A_859 = tpu.memref_slice %arg5[%add3A_460, %dma_wait3A_858, %mul3A_32] : memref<512x512x256xf32, #tpu.memory_space<hbm>> -> memref<1x512x128xf32, #tpu.memory_space<hbm>>
    %dma_wait3A_860 = tpu.memref_squeeze %dma_wait3A_859 : memref<1x512x128xf32, #tpu.memory_space<hbm>> -> memref<512x128xf32, #tpu.memory_space<hbm>>
    %dma_wait3A_861 = arith.constant 0 : i32
    %dma_wait3A_862 = tpu.memref_slice %arg5[%add3A_460, %dma_wait3A_861, %mul3A_32] : memref<512x512x256xf32, #tpu.memory_space<hbm>> -> memref<1x512x128xf32, #tpu.memory_space<hbm>>
    %dma_wait3A_863 = tpu.memref_squeeze %dma_wait3A_862 : memref<1x512x128xf32, #tpu.memory_space<hbm>> -> memref<512x128xf32, #tpu.memory_space<hbm>>
    %dma_wait3A_864 = arith.constant 80 : i32
    %dma_wait3A_865 = arith.constant 0 : i32
    %dma_wait3A_866 = tpu.memref_slice %arg6[%dma_wait3A_864, %dma_wait3A_865] : memref<1016x128xf32, #tpu.memory_space<vmem>> -> memref<512x128xf32, #tpu.memory_space<vmem>>
    tpu.wait_dma2 semaphore(%arg7 : memref<!tpu.dma_semaphore, #tpu.memory_space<semaphore_mem>>) src(%dma_wait3A_866 : memref<512x128xf32, #tpu.memory_space<vmem>>) dst(%dma_wait3A_863 : memref<512x128xf32, #tpu.memory_space<hbm>>)
    %dma_wait3A_867 = arith.constant 64 : i32
    %dma_wait3A_868 = arith.constant 0 : i32
    %dma_wait3A_869 = tpu.memref_slice %arg6[%dma_wait3A_867, %dma_wait3A_868] : memref<1016x128xf32, #tpu.memory_space<vmem>> -> memref<512x128xf32, #tpu.memory_space<vmem>>
    %dma_wait3A_870 = arith.constant 0 : i32
    %dma_wait3A_871 = tpu.memref_slice %arg5[%add3A_474, %dma_wait3A_870, %mul3A_32] : memref<512x512x256xf32, #tpu.memory_space<hbm>> -> memref<1x512x128xf32, #tpu.memory_space<hbm>>
    %dma_wait3A_872 = tpu.memref_squeeze %dma_wait3A_871 : memref<1x512x128xf32, #tpu.memory_space<hbm>> -> memref<512x128xf32, #tpu.memory_space<hbm>>
    %dma_wait3A_873 = arith.constant 0 : i32
    %dma_wait3A_874 = tpu.memref_slice %arg5[%add3A_474, %dma_wait3A_873, %mul3A_32] : memref<512x512x256xf32, #tpu.memory_space<hbm>> -> memref<1x512x128xf32, #tpu.memory_space<hbm>>
    %dma_wait3A_875 = tpu.memref_squeeze %dma_wait3A_874 : memref<1x512x128xf32, #tpu.memory_space<hbm>> -> memref<512x128xf32, #tpu.memory_space<hbm>>
    %dma_wait3A_876 = arith.constant 64 : i32
    %dma_wait3A_877 = arith.constant 0 : i32
    %dma_wait3A_878 = tpu.memref_slice %arg6[%dma_wait3A_876, %dma_wait3A_877] : memref<1016x128xf32, #tpu.memory_space<vmem>> -> memref<512x128xf32, #tpu.memory_space<vmem>>
    tpu.wait_dma2 semaphore(%arg7 : memref<!tpu.dma_semaphore, #tpu.memory_space<semaphore_mem>>) src(%dma_wait3A_878 : memref<512x128xf32, #tpu.memory_space<vmem>>) dst(%dma_wait3A_875 : memref<512x128xf32, #tpu.memory_space<hbm>>)
    %dma_wait3A_879 = arith.constant 48 : i32
    %dma_wait3A_880 = arith.constant 0 : i32
    %dma_wait3A_881 = tpu.memref_slice %arg6[%dma_wait3A_879, %dma_wait3A_880] : memref<1016x128xf32, #tpu.memory_space<vmem>> -> memref<512x128xf32, #tpu.memory_space<vmem>>
    %dma_wait3A_882 = arith.constant 0 : i32
    %dma_wait3A_883 = tpu.memref_slice %arg5[%add3A_488, %dma_wait3A_882, %mul3A_32] : memref<512x512x256xf32, #tpu.memory_space<hbm>> -> memref<1x512x128xf32, #tpu.memory_space<hbm>>
    %dma_wait3A_884 = tpu.memref_squeeze %dma_wait3A_883 : memref<1x512x128xf32, #tpu.memory_space<hbm>> -> memref<512x128xf32, #tpu.memory_space<hbm>>
    %dma_wait3A_885 = arith.constant 0 : i32
    %dma_wait3A_886 = tpu.memref_slice %arg5[%add3A_488, %dma_wait3A_885, %mul3A_32] : memref<512x512x256xf32, #tpu.memory_space<hbm>> -> memref<1x512x128xf32, #tpu.memory_space<hbm>>
    %dma_wait3A_887 = tpu.memref_squeeze %dma_wait3A_886 : memref<1x512x128xf32, #tpu.memory_space<hbm>> -> memref<512x128xf32, #tpu.memory_space<hbm>>
    %dma_wait3A_888 = arith.constant 48 : i32
    %dma_wait3A_889 = arith.constant 0 : i32
    %dma_wait3A_890 = tpu.memref_slice %arg6[%dma_wait3A_888, %dma_wait3A_889] : memref<1016x128xf32, #tpu.memory_space<vmem>> -> memref<512x128xf32, #tpu.memory_space<vmem>>
    tpu.wait_dma2 semaphore(%arg7 : memref<!tpu.dma_semaphore, #tpu.memory_space<semaphore_mem>>) src(%dma_wait3A_890 : memref<512x128xf32, #tpu.memory_space<vmem>>) dst(%dma_wait3A_887 : memref<512x128xf32, #tpu.memory_space<hbm>>)
    %dma_wait3A_891 = arith.constant 32 : i32
    %dma_wait3A_892 = arith.constant 0 : i32
    %dma_wait3A_893 = tpu.memref_slice %arg6[%dma_wait3A_891, %dma_wait3A_892] : memref<1016x128xf32, #tpu.memory_space<vmem>> -> memref<512x128xf32, #tpu.memory_space<vmem>>
    %dma_wait3A_894 = arith.constant 0 : i32
    %dma_wait3A_895 = tpu.memref_slice %arg5[%add3A_502, %dma_wait3A_894, %mul3A_32] : memref<512x512x256xf32, #tpu.memory_space<hbm>> -> memref<1x512x128xf32, #tpu.memory_space<hbm>>
    %dma_wait3A_896 = tpu.memref_squeeze %dma_wait3A_895 : memref<1x512x128xf32, #tpu.memory_space<hbm>> -> memref<512x128xf32, #tpu.memory_space<hbm>>
    %dma_wait3A_897 = arith.constant 0 : i32
    %dma_wait3A_898 = tpu.memref_slice %arg5[%add3A_502, %dma_wait3A_897, %mul3A_32] : memref<512x512x256xf32, #tpu.memory_space<hbm>> -> memref<1x512x128xf32, #tpu.memory_space<hbm>>
    %dma_wait3A_899 = tpu.memref_squeeze %dma_wait3A_898 : memref<1x512x128xf32, #tpu.memory_space<hbm>> -> memref<512x128xf32, #tpu.memory_space<hbm>>
    %dma_wait3A_900 = arith.constant 32 : i32
    %dma_wait3A_901 = arith.constant 0 : i32
    %dma_wait3A_902 = tpu.memref_slice %arg6[%dma_wait3A_900, %dma_wait3A_901] : memref<1016x128xf32, #tpu.memory_space<vmem>> -> memref<512x128xf32, #tpu.memory_space<vmem>>
    tpu.wait_dma2 semaphore(%arg7 : memref<!tpu.dma_semaphore, #tpu.memory_space<semaphore_mem>>) src(%dma_wait3A_902 : memref<512x128xf32, #tpu.memory_space<vmem>>) dst(%dma_wait3A_899 : memref<512x128xf32, #tpu.memory_space<hbm>>)
    %dma_wait3A_903 = arith.constant 16 : i32
    %dma_wait3A_904 = arith.constant 0 : i32
    %dma_wait3A_905 = tpu.memref_slice %arg6[%dma_wait3A_903, %dma_wait3A_904] : memref<1016x128xf32, #tpu.memory_space<vmem>> -> memref<512x128xf32, #tpu.memory_space<vmem>>
    %dma_wait3A_906 = arith.constant 0 : i32
    %dma_wait3A_907 = tpu.memref_slice %arg5[%add3A_516, %dma_wait3A_906, %mul3A_32] : memref<512x512x256xf32, #tpu.memory_space<hbm>> -> memref<1x512x128xf32, #tpu.memory_space<hbm>>
    %dma_wait3A_908 = tpu.memref_squeeze %dma_wait3A_907 : memref<1x512x128xf32, #tpu.memory_space<hbm>> -> memref<512x128xf32, #tpu.memory_space<hbm>>
    %dma_wait3A_909 = arith.constant 0 : i32
    %dma_wait3A_910 = tpu.memref_slice %arg5[%add3A_516, %dma_wait3A_909, %mul3A_32] : memref<512x512x256xf32, #tpu.memory_space<hbm>> -> memref<1x512x128xf32, #tpu.memory_space<hbm>>
    %dma_wait3A_911 = tpu.memref_squeeze %dma_wait3A_910 : memref<1x512x128xf32, #tpu.memory_space<hbm>> -> memref<512x128xf32, #tpu.memory_space<hbm>>
    %dma_wait3A_912 = arith.constant 16 : i32
    %dma_wait3A_913 = arith.constant 0 : i32
    %dma_wait3A_914 = tpu.memref_slice %arg6[%dma_wait3A_912, %dma_wait3A_913] : memref<1016x128xf32, #tpu.memory_space<vmem>> -> memref<512x128xf32, #tpu.memory_space<vmem>>
    tpu.wait_dma2 semaphore(%arg7 : memref<!tpu.dma_semaphore, #tpu.memory_space<semaphore_mem>>) src(%dma_wait3A_914 : memref<512x128xf32, #tpu.memory_space<vmem>>) dst(%dma_wait3A_911 : memref<512x128xf32, #tpu.memory_space<hbm>>)
    %dma_wait3A_915 = arith.constant 0 : i32
    %dma_wait3A_916 = arith.constant 0 : i32
    %dma_wait3A_917 = tpu.memref_slice %arg6[%dma_wait3A_915, %dma_wait3A_916] : memref<1016x128xf32, #tpu.memory_space<vmem>> -> memref<512x128xf32, #tpu.memory_space<vmem>>
    %dma_wait3A_918 = arith.constant 0 : i32
    %dma_wait3A_919 = tpu.memref_slice %arg5[%add3A_530, %dma_wait3A_918, %mul3A_32] : memref<512x512x256xf32, #tpu.memory_space<hbm>> -> memref<1x512x128xf32, #tpu.memory_space<hbm>>
    %dma_wait3A_920 = tpu.memref_squeeze %dma_wait3A_919 : memref<1x512x128xf32, #tpu.memory_space<hbm>> -> memref<512x128xf32, #tpu.memory_space<hbm>>
    %dma_wait3A_921 = arith.constant 0 : i32
    %dma_wait3A_922 = tpu.memref_slice %arg5[%add3A_530, %dma_wait3A_921, %mul3A_32] : memref<512x512x256xf32, #tpu.memory_space<hbm>> -> memref<1x512x128xf32, #tpu.memory_space<hbm>>
    %dma_wait3A_923 = tpu.memref_squeeze %dma_wait3A_922 : memref<1x512x128xf32, #tpu.memory_space<hbm>> -> memref<512x128xf32, #tpu.memory_space<hbm>>
    %dma_wait3A_924 = arith.constant 0 : i32
    %dma_wait3A_925 = arith.constant 0 : i32
    %dma_wait3A_926 = tpu.memref_slice %arg6[%dma_wait3A_924, %dma_wait3A_925] : memref<1016x128xf32, #tpu.memory_space<vmem>> -> memref<512x128xf32, #tpu.memory_space<vmem>>
    tpu.wait_dma2 semaphore(%arg7 : memref<!tpu.dma_semaphore, #tpu.memory_space<semaphore_mem>>) src(%dma_wait3A_926 : memref<512x128xf32, #tpu.memory_space<vmem>>) dst(%dma_wait3A_923 : memref<512x128xf32, #tpu.memory_space<hbm>>)
    return
  }
}

</mosaic_0001>

<sc_bundles>
// kernel: _rpe.3.cloned.1.call-start
scs
__scs_entry_jumppad:
0x0: {  	(pc) =	sbr.rel $0x88, $3  }
0x1: {  	(tag) =	ssettag $0x0;
	lr =	simm.s32 $0x1  }
0x2: {  	[smem:$0x3FA0] =	sst lr;
	_ =	strace $0xD0000000  }
0x3: {  	_ = 	snop  }
0x4: {  	_ = 	snop  }
0x5: {  	_ = 	snop  }
0x6: {  	_ = 	snop  }
0x7: {  	_ = 	snop  }
__scs_overlays_trampoline_lowered:
0x8: {  	[smem:$0x3FAF] =	sst s0  }
0x9: {  	[smem:$0x3FB0] =	sst s1  }
0xa: {  	[smem:$0x3FB1] =	sst s2  }
0xb: {  	[smem:$0x3FB2] =	sst s3  }
0xc: {  	[smem:$0x3FB3] =	sst s4  }
0xd: {  	[smem:$0x3FB4] =	sst s5  }
0xe: {  	[smem:$0x3FB5] =	sst s6  }
0xf: {  	[smem:$0x3FB6] =	sst s7  }
0x10: {  	[smem:$0x3FB7] =	sst s8  }
0x11: {  	[smem:$0x3FB8] =	sst s9;
	s0 =	simm.s32 @!p0 $0x0  }
0x12: {  	s1 =	sld [smem:$0x3F9E];
	s0 =	simm.s32 @p0 $0x1  }
0x13: {  	[smem:$0x3FB9] =	sst s0;
	s0 =	simm.s32 @!p1 $0x0  }
0x14: {  	s2 =	sld [smem:$0x3F9D];
	s0 =	simm.s32 @p1 $0x1  }
0x15: {  	[smem:$0x3FBA] =	sst s0;
	s0 =	simm.s32 @!p2 $0x0  }
0x16: {  	s3 =	sld [smem:$0x3FDB];
	s0 =	simm.s32 @p2 $0x1  }
0x17: {  	s4 =	simm.s32 $0x1BF5;
	[smem:$0x3FBC] =	sst s0  }
0x18: {  	s0 =	sld [smem:$0x3F9F];
	_ =	swait.ge [sflag:s4], $0x0  }
0x19: {  	s7 =	sld [smem:$0x3FA0]  }
0x1a: {  	s8 =	sadd.s32 $0xFFFFE003, lr  }
0x1b: {  	s9 =	sadd.s32 $0xFFFFFEF7, lr;
	s5 =	simm.s32 $0xFFFFFFFF;
	p2 =	slt.u32 s8, $0xFFFFF086  }
0x1c: {  	p1 =	slt.u32 s9, $0xF7A;
	s5 =	simm.s32 @!p2 $0x0  }
0x1d: {  	s5 =	simm.s32 @p1 $0x1;
	p0 =	seq.s32 s7, s2  }
0x1e: {  	s7 =	smul.u32 @!p0 $0xF7A, s2;
	p2 =	seq.s32 @!p0 s5, $0x0  }
0x1f: {  	s9 =	smul.u32 $0xF7A, s1;
	s8 =	simm.s32 @!p0 $0x1BF5;
	p2 =	por !p2, p0  }
0x20: {  	[sflag:s8] =	ssyncset.s32 @!p0 $0xFFFFF086;
	s6 =	sadd.s32 @!p0 s3, s7;
	s7 =	simm.s32 @!p0 $0x108  }
0x21: {  	s3 =	sadd.s32 s3, s9;
	s6 =	sadd.s32 @!p0 $0x88, s6;
	s7 =	simm.s32 @p2 $0x1082  }
0x22: {  	[simem:s7], [sflag:s8] =	dma.local @!p0 [hbm:s6], $0xF7A  }
0x23: {  	s9 =	sor.u32 $0xD0000000, s2;
	s6 =	simm.s32 $0x108;
	_ =	swait.ge @!p0 [sflag:s8], $0x0  }
0x24: {  	s3 =	sadd.s32 $0x88, s3;
	s6 =	simm.s32 @!p1 $0x1082;
	[sflag:s4] =	ssyncset.s32 $0xFFFFF086  }
0x25: {  	[simem:s6], [sflag:s4] =	dma.local [hbm:s3], $0xF7A  }
0x26: {  	[smem:$0x3FA0] =	sst s1;
	(tag) =	ssettag s2;
	_ =	strace s9  }
0x27: {  	s1 =	sld [smem:$0x3FB0]  }
0x28: {  	s2 =	sld [smem:$0x3FB1]  }
0x29: {  	s4 =	sld [smem:$0x3FB3]  }
0x2a: {  	p0 =	seq.s32 s5, $0x0;
	s5 =	sld [smem:$0x3FB4]  }
0x2b: {  	s6 =	sld [smem:$0x3FB5]  }
0x2c: {  	s7 =	sld [smem:$0x3FB6]  }
0x2d: {  	s3 =	simm.s32 $0x108;
	s8 =	sld [smem:$0x3FB7]  }
0x2e: {  	s3 =	simm.s32 @!p0 $0x1082;
	s9 =	sld [smem:$0x3FB8]  }
0x2f: {  	lr =	sadd.s32 s0, s3;
	s0 =	sld [smem:$0x3FAF]  }
0x30: {  	s3 =	sld [smem:$0x3FB2]  }
0x31: {  	[smem:$0x3FBB] =	sst s10  }
0x32: {  	s10 =	sld [smem:$0x3FB9];
	_ =	sdelay $0x3  }
0x33: {  	p0 =	seq.s32 s10, $0x1;
	s10 =	sld [smem:$0x3FBB];
	_ =	sdelay $0x3  }
0x34: {  	[smem:$0x3FBB] =	sst s10  }
0x35: {  	s10 =	sld [smem:$0x3FBA];
	_ =	sdelay $0x3  }
0x36: {  	p1 =	seq.s32 s10, $0x1;
	s10 =	sld [smem:$0x3FBB];
	_ =	sdelay $0x3  }
0x37: {  	[smem:$0x3FBB] =	sst s10  }
0x38: {  	s10 =	sld [smem:$0x3FBC]  }
0x39: {  	_ = 	snop;
	(pc) =	sbr.ind lr, $3  }
0x3a: {  	_ = 	snop  }
0x3b: {  	_ = 	snop  }
0x3c: {  	p2 =	seq.s32 s10, $0x1;
	s10 =	sld [smem:$0x3FBB]  }
0x3d: {  	_ =	shalt  }
0x3e: {  	_ =	shalt  }
0x3f: {  	_ =	shalt  }
0x40: {  	_ =	shalt  }
0x41: {  	_ =	shalt  }
0x42: {  	_ =	shalt  }
0x43: {  	_ =	shalt  }
0x44: {  	_ =	shalt  }
0x45: {  	_ =	shalt  }
0x46: {  	_ =	shalt  }
0x47: {  	_ =	shalt  }
0x48: {  	_ =	shalt  }
0x49: {  	_ =	shalt  }
0x4a: {  	_ =	shalt  }
0x4b: {  	_ =	shalt  }
0x4c: {  	_ =	shalt  }
0x4d: {  	_ =	shalt  }
0x4e: {  	_ =	shalt  }
0x4f: {  	_ =	shalt  }
0x50: {  	_ =	shalt  }
0x51: {  	_ =	shalt  }
0x52: {  	_ =	shalt  }
0x53: {  	_ =	shalt  }
0x54: {  	_ =	shalt  }
0x55: {  	_ =	shalt  }
0x56: {  	_ =	shalt  }
0x57: {  	_ =	shalt  }
0x58: {  	_ =	shalt  }
0x59: {  	_ =	shalt  }
0x5a: {  	_ =	shalt  }
0x5b: {  	_ =	shalt  }
0x5c: {  	_ =	shalt  }
0x5d: {  	_ =	shalt  }
0x5e: {  	_ =	shalt  }
0x5f: {  	_ =	shalt  }
0x60: {  	_ =	shalt  }
0x61: {  	_ =	shalt  }
0x62: {  	_ =	shalt  }
0x63: {  	_ =	shalt  }
0x64: {  	_ =	shalt  }
0x65: {  	_ =	shalt  }
0x66: {  	_ =	shalt  }
0x67: {  	_ =	shalt  }
0x68: {  	_ =	shalt  }
0x69: {  	_ =	shalt  }
0x6a: {  	_ =	shalt  }
0x6b: {  	_ =	shalt  }
0x6c: {  	_ =	shalt  }
0x6d: {  	_ =	shalt  }
0x6e: {  	_ =	shalt  }
0x6f: {  	_ =	shalt  }
0x70: {  	_ =	shalt  }
0x71: {  	_ =	shalt  }
0x72: {  	_ =	shalt  }
0x73: {  	_ =	shalt  }
0x74: {  	_ =	shalt  }
0x75: {  	_ =	shalt  }
0x76: {  	_ =	shalt  }
0x77: {  	_ =	shalt  }
0x78: {  	_ =	shalt  }
0x79: {  	_ =	shalt  }
0x7a: {  	_ =	shalt  }
0x7b: {  	_ =	shalt  }
0x7c: {  	_ =	shalt  }
0x7d: {  	_ =	shalt  }
0x7e: {  	_ =	shalt  }
0x7f: {  	_ =	shalt  }
0x80: {  	_ =	shalt  }
0x81: {  	_ =	shalt  }
0x82: {  	_ =	shalt  }
0x83: {  	_ =	shalt  }
0x84: {  	_ =	shalt  }
0x85: {  	_ =	shalt  }
0x86: {  	_ =	shalt  }
0x87: {  	_ =	shalt  }
.Lfunc_end0:
.L_simem_size_0:
called_computation_lowered:
.L_overlay_start_0:
0x88: {  	s2 =	sld [smem:$0x3FD9]  }
0x89: {  	s3 =	sld [smem:$0x3FFE];
	_ =	sdelay $0x1  }
0x8a: {  	s1 =	srdreg.scid  }
0x8b: {  	s0 =	sand.u32 $0x1, s1  }
0x8c: {  	s17 =	sshll.u32 s0, $0xA;
	s2 =	sadd.s32 s3, s2  }
0x8d: {  	s2 =	sadd.s32 s2, s17  }
0x8e: {  	[smem:$0x3FC7] =	sst s2  }
0x8f: {  	_ = 	snop  }
0x90: {  	s2 =	sld [smem:$0x3FD0];
	(tm) =	ssettm $0x1  }
0x91: {  	s18 =	sld [smem:$0x3FFB];
	_ =	sdelay $0x3  }
0x92: {  	_ =	strace s18  }
0x93: {  	s3 =	sld [smem:$0x3FFC];
	_ =	sdelay $0x3  }
0x94: {  	_ =	strace s3  }
0x95: {  	s3 =	sld [smem:$0x3FFD];
	_ =	sdelay $0x3  }
0x96: {  	_ =	strace s3  }
0x97: {  	_ =	strace $0x8FFFFFFF  }
0x98: {  	s19 =	sld [smem:$0x3FDB];
	_ =	sdelay $0x1  }
0x99: {  	s4 =	simm.s32 $_scs_section_size  }
0x9a: {  	s5 =	simm.s32 $_size__tile_overlayer_lowered;
	s6 =	simm.s32 $_tile_overlayer_lowered  }
0x9b: {  	s22 =	simm.s32 $0x1BFF;
	s21 =	sshll.u32 s6, $0x1;
	s3 =	sadd.s32 s4, s19  }
0x9c: {  	s7 =	simm.s32 $0x0;
	s20 =	sshll.u32 s5, $0x1;
	s5 =	sadd.s32 s21, s3  }
0x9d: {  	[timem:s7], [sflag:s22] =	dma.local [hbm:s5], s20  }
0x9e: {  	_ =	swait.ge [sflag:s22], s20  }
0x9f: {  	s4 =	ssub.s32 $0x0, s20;
	[sflag:s22] =	ssyncset.done $0x0  }
0xa0: {  	[sflag:s22] =	ssyncadd.s32 s4;
	_ =	sdelay $0x1  }
0xa1: {  	s23 =	simm.s32 $0x1B8B  }
0xa2: {  	_ =	swait.ge [sflag:s23], $0x1  }
0xa3: {  	[sflag:s23] =	ssyncset.done $0x0  }
0xa4: {  	s25 =	simm.s32 $0x1B8E;
	s24 =	sld [smem:$0x3FFE];
	[sflag:s23] =	ssyncadd.s32 $0xFFFFFFFF  }
0xa5: {  	s26 =	simm.s32 $execute0_lowered;
	[smem:$0x3FD2] =	sst s25  }
0xa6: {  	s5 =	sshll.u32 s26, $0x1;
	_ =	strace $0x80000046;
	[dreg:$0x1] =	wrdreg $0xFFFFFFFF  }
0xa7: {  	s28 =	simm.s32 $_size_execute0_lowered;
	s3 =	sadd.s32 s3, s5;
	[dreg:$0x0] =	wrdreg $0x0  }
0xa8: {  	s5 =	sshll.u32 s28, $0x1;
	[dreg:$0x2] =	wrdreg s3  }
0xa9: {  	[dreg:$0x3] =	wrdreg s5  }
0xaa: {  	[dreg:$0x4] =	wrdreg $0xC0  }
0xab: {  	_ =	task [dreg:s7], $0x5FFFF  }
0xac: {  	[dreg:$0x1] =	wrdreg $0xFFFFFFFF  }
0xad: {  	[dreg:$0x0] =	wrdreg $0x60  }
0xae: {  	[dreg:$0x2] =	wrdreg s24  }
0xaf: {  	[dreg:$0x3] =	wrdreg s2  }
0xb0: {  	[dreg:$0x4] =	wrdreg $0x9  }
0xb1: {  	_ =	task.clear_ibuf [dreg:s7], $0x5FFFF;
	_ =	strace $0x90000046  }
0xb2: {  	s29 =	simm.s32 $0x9;
	_ =	strace $0x80000048  }
0xb3: {  	_ =	swait.ge [sflag:s29], $0x1  }
0xb4: {  	[sflag:s29] =	ssyncadd.s32 $0xFFFFFFFF  }
0xb5: {  	_ =	strace $0x90000048  }
0xb6: {  	_ =	sfence  }
0xb7: {  	s30 =	sld [smem:$0x0];
	_ =	sdelay $0x2  }
0xb8: {  	s31 =	sshll.u32 s1, $0xD;
	s1 =	sshrl.u32 s1, $0x2  }
0xb9: {  	s3 =	sand.u32 $0x4000, s31;
	s1 =	sadd.s32 s1, s30  }
0xba: {  	s0 =	sor.u32 s3, s0;
	s1 =	sshll.u32 s1, $0x11  }
0xbb: {  	s0 =	sor.u32 s1, s0  }
0xbc: {  	s0 =	sadd.s32 $0x8F2B, s0  }
0xbd: {  	[sflag:s0] =	ssyncadd.remote.s32 $0x1  }
0xbe: {  	_ =	sfence.sel $0xFFFF  }
0xbf: {  	[dreg:$0x0] =	wrdreg $0xFFFFFFFF;
	(pc) =	sbr.abs _section_cstart, $3  }
0xc0: {  	[dreg:$0x1] =	wrdreg $0xFFFFFFFF  }
0xc1: {  	_ =	task.clear_ibuf [dreg:s7], $0x2FFFF;
	_ =	strace $0x9FFFFFFF  }
0xc2: {  	(tm) =	ssettm $0x7FFFFFFF  }
0xc3: {  	_ =	shalt  }
tec
execute0_lowered:
.L_overlay_start_1:
0x0: {  	(tag) =	ssettag $0x1  }
0x1: {  	s1 =	srdreg.scid  }
0x2: {  	s0 =	stileid.u32;
	s1 =	sand.u32 $0x1, s1  }
0x3: {  	s2 =	sor.u32 s1, s0  }
0x4: {  	p0 =	seq.s32 s1, $0x1;
	p1 =	seq.s32 s2, $0x0  }
0x5: {  	p0 =	por !p1, !p0  }
0x6: {  	s2 =	simm.s32 $0x1;
	p0 =	por !p0, !p0  }
0x7: {  	s2 =	simm.s32 @!p0 $0x0  }
0x8: {  	s5 =	ssub.s32 s0, s2  }
0x9: {  	s4 =	rddreg [dreg:$0x0];
	s6 =	smul.u32 $0x11000, s5  }
0xa: {  	s3 =	rddreg [dreg:$0x1];
	s7 =	sshll.u32 s1, $0xA;
	s8 =	sshll.u32 s1, $0x7  }
0xb: {  	[smem:$0x7FD] =	sst s1;
	s8 =	sadd.s32 s8, s4;
	s6 =	sor.u32 s7, s6  }
0xc: {  	s12 =	sadd.s32 $0x22A00, s8;
	s2 =	simm.s32 $0x0;
	s6 =	sshrl.u32 s6, $0x3  }
0xd: {  	[smem:$0x7FF] =	sst s2;
	s5 =	sshll.u32 s5, $0x11;
	s4 =	sadd.s32 s6, s4  }
0xe: {  	_ =	strace $0x80000047;
	[dreg:$0x3] =	wrdreg s12;
	s4 =	sadd.s32 $0xA00, s4  }
0xf: {  	s13 =	sadd.s32 $0x25800, s8;
	[dreg:$0x4] =	wrdreg s4;
	s4 =	sor.u32 s7, s5  }
0x10: {  	[dreg:$0x5] =	wrdreg s13;
	s14 =	sshrl.u32 s4, $0x3;
	s7 =	sadd.s32 $0x200000, s4  }
0x11: {  	s18 =	sadd.s32 $0x400000, s4;
	s20 =	sadd.s32 $0x600000, s4;
	s21 =	sadd.s32 $0x800000, s4  }
0x12: {  	s25 =	sadd.s32 $0xA00000, s4;
	s0 =	sadd.s32 $0xC00000, s4;
	s1 =	sadd.s32 $0xE00000, s4  }
0x13: {  	s9 =	sadd.s32 $0x1000000, s4;
	s11 =	sadd.s32 $0x1200000, s4;
	s12 =	sadd.s32 $0x1400000, s4  }
0x14: {  	s15 =	sadd.s32 s3, s14;
	s16 =	sshrl.u32 s7, $0x3;
	s19 =	sshrl.u32 s18, $0x3  }
0x15: {  	s6 =	sshrl.u32 s20, $0x3;
	s23 =	sshrl.u32 s21, $0x3;
	s26 =	sshrl.u32 s25, $0x3  }
0x16: {  	s7 =	sshrl.u32 s1, $0x3;
	s10 =	sshrl.u32 s9, $0x3;
	s14 =	sshrl.u32 s12, $0x3  }
0x17: {  	s18 =	sadd.s32 $0x1800000, s4;
	s25 =	sadd.s32 $0x1E00000, s4;
	[dreg:$0x6] =	wrdreg s15  }
0x18: {  	s17 =	sadd.s32 s3, s16;
	s5 =	sadd.s32 s3, s19;
	s22 =	sadd.s32 s3, s6  }
0x19: {  	s24 =	sadd.s32 s3, s23;
	s6 =	sshrl.u32 s0, $0x3;
	[dreg:$0x7] =	wrdreg s17  }
0x1a: {  	s8 =	sadd.s32 s3, s7;
	s15 =	sadd.s32 s3, s14;
	[dreg:$0x8] =	wrdreg s5  }
0x1b: {  	s16 =	sadd.s32 $0x1600000, s4;
	s19 =	sadd.s32 $0x1A00000, s4;
	[dreg:$0x9] =	wrdreg s22  }
0x1c: {  	s23 =	sadd.s32 $0x1C00000, s4;
	s7 =	sadd.s32 $0x2200000, s4;
	[dreg:$0xa] =	wrdreg s24  }
0x1d: {  	s5 =	sadd.s32 s3, s26;
	s6 =	sadd.s32 s3, s6;
	[dreg:$0xd] =	wrdreg s8  }
0x1e: {  	[dreg:$0x10] =	wrdreg s15;
	s17 =	sshrl.u32 s16, $0x3;
	s21 =	sshrl.u32 s19, $0x3  }
0x1f: {  	s24 =	sshrl.u32 s23, $0x3;
	s26 =	sadd.s32 $0x2000000, s4;
	[dreg:$0xb] =	wrdreg s5  }
0x20: {  	[dreg:$0xc] =	wrdreg s6;
	s5 =	sadd.s32 s3, s10;
	s6 =	sshrl.u32 s11, $0x3  }
0x21: {  	s22 =	sadd.s32 s3, s21;
	s1 =	sshrl.u32 s26, $0x3;
	[dreg:$0xe] =	wrdreg s5  }
0x22: {  	s21 =	sadd.s32 $0x2E00000, s4;
	s13 =	sadd.s32 s3, s6;
	[dreg:$0x13] =	wrdreg s22  }
0x23: {  	s5 =	sadd.s32 s3, s17;
	s6 =	sshrl.u32 s18, $0x3;
	[dreg:$0xf] =	wrdreg s13  }
0x24: {  	s22 =	sshrl.u32 s21, $0x3;
	s21 =	simm.s32 $0xE000;
	[dreg:$0x11] =	wrdreg s5  }
0x25: {  	s10 =	sadd.s32 $0x2600000, s4;
	s20 =	sadd.s32 s3, s6;
	[smem:$0x7F2] =	sst s21  }
0x26: {  	s12 =	sshrl.u32 s10, $0x3;
	s5 =	sadd.s32 s3, s24;
	[dreg:$0x12] =	wrdreg s20  }
0x27: {  	s17 =	sadd.s32 $0x2C00000, s4;
	s13 =	sadd.s32 s3, s12;
	[dreg:$0x14] =	wrdreg s5  }
0x28: {  	s19 =	sshrl.u32 s17, $0x3;
	s17 =	simm.s32 $0x14000;
	[dreg:$0x19] =	wrdreg s13  }
0x29: {  	s6 =	sshrl.u32 s25, $0x3;
	s24 =	sadd.s32 $0x3200000, s4;
	[smem:$0x7F1] =	sst s17  }
0x2a: {  	s0 =	sadd.s32 s3, s6;
	s26 =	sshrl.u32 s24, $0x3;
	s24 =	rddreg [dreg:$0x4]  }
0x2b: {  	s8 =	sshrl.u32 s7, $0x3;
	s6 =	sadd.s32 s3, s1;
	[dreg:$0x15] =	wrdreg s0  }
0x2c: {  	s9 =	sadd.s32 $0x2400000, s4;
	s5 =	sadd.s32 s3, s8;
	[dreg:$0x16] =	wrdreg s6  }
0x2d: {  	s14 =	sadd.s32 $0x2800000, s4;
	s20 =	sadd.s32 s3, s19;
	[dreg:$0x17] =	wrdreg s5  }
0x2e: {  	s15 =	sshrl.u32 s14, $0x3;
	s19 =	simm.s32 $0xF000;
	[dreg:$0x1c] =	wrdreg s20  }
0x2f: {  	s16 =	sadd.s32 $0x2A00000, s4;
	s5 =	sadd.s32 s3, s15;
	[smem:$0x7F3] =	sst s19  }
0x30: {  	s23 =	sadd.s32 $0x3000000, s4;
	s0 =	sadd.s32 s3, s26;
	[dreg:$0x1a] =	wrdreg s5  }
0x31: {  	s1 =	sadd.s32 $0x3400000, s4;
	s20 =	simm.s32 $0xE800;
	[dreg:$0x1f] =	wrdreg s0  }
0x32: {  	s8 =	sadd.s32 $0x3600000, s4;
	s6 =	sshrl.u32 s9, $0x3;
	[smem:$0x7F5] =	sst s20  }
0x33: {  	s11 =	sadd.s32 s3, s6;
	s5 =	sadd.s32 s3, s22;
	s22 =	rddreg [dreg:$0x3]  }
0x34: {  	s13 =	sadd.s32 $0x3A00000, s4;
	s7 =	sshrl.u32 s1, $0x3;
	[dreg:$0x18] =	wrdreg s11  }
0x35: {  	s9 =	sadd.s32 $0x3800000, s4;
	s6 =	sshrl.u32 s16, $0x3;
	[dreg:$0x1d] =	wrdreg s5  }
0x36: {  	s18 =	sadd.s32 s3, s6;
	s6 =	sshrl.u32 s23, $0x3;
	s23 =	sld [smem:$0x7F1]  }
0x37: {  	s14 =	sshrl.u32 s13, $0x3;
	s5 =	sadd.s32 s3, s7;
	[dreg:$0x1b] =	wrdreg s18  }
0x38: {  	s11 =	sshrl.u32 s9, $0x3;
	s9 =	simm.s32 $0xD800;
	[smem:$0x7F7] =	sst s5  }
0x39: {  	s15 =	sadd.s32 $0x3C00000, s4;
	s25 =	sadd.s32 s3, s6;
	[smem:$0x7F6] =	sst s9  }
0x3a: {  	s4 =	sadd.s32 $0x3E00000, s4;
	s12 =	sadd.s32 s3, s11;
	[dreg:$0x1e] =	wrdreg s25  }
0x3b: {  	s4 =	sshrl.u32 s4, $0x3;
	s5 =	sadd.s32 s3, s14;
	[smem:$0x7F9] =	sst s12  }
0x3c: {  	s6 =	sshrl.u32 s8, $0x3;
	s18 =	simm.s32 $0xF800;
	[smem:$0x7FA] =	sst s5  }
0x3d: {  	s10 =	sadd.s32 s3, s6;
	s6 =	sshrl.u32 s15, $0x3;
	[smem:$0x7F4] =	sst s18  }
0x3e: {  	s5 =	simm.s32 $0x800;
	[smem:$0x7F8] =	sst s10;
	s16 =	sadd.s32 s3, s6  }
0x3f: {  	s3 =	sadd.s32 s3, s4;
	s4 =	simm.s32 $0x400;
	s10 =	rddreg [dreg:$0x5]  }
0x40: {  	[tilespmem:s2], [sflag:$0x1] =	stream.strided.gather [hbm4b:s22+s4], $0xB800, s5, s4, $0x38;
	[tilespmem:$0x1FC00] =	vst v63  }
0x41: {  	s6 =	simm.s32 $0xB800;
	[smem:$0x7FB] =	sst s16  }
0x42: {  	[tilespmem:s6], [sflag:$0x1] =	stream.strided.gather [hbm4b:s24+s4], $0x8800, s5, s4, $0x38;
	[tilespmem:$0x1FC00] =	vst v63  }
0x43: {  	[smem:$0x7FC] =	sst s3;
	s3 =	simm.s32 $0x1  }
0x44: {  	[tilespmem:s23], [sflag:$0x1] =	stream.strided.gather [hbm4b:s10+s4], $0xBC00, s5, s4, $0x38;
	[tilespmem:$0x1FC00] =	vst v63  }
0x45: {  	_ =	swait.ge [sflag:s3], $0xB800  }
0x46: {  	[sflag:s3] =	ssyncset.done $0x0  }
0x47: {  	[sflag:s3] =	ssyncadd.s32 $0xFFFF4800  }
0x48: {  	_ =	swait.ge [sflag:s3], $0x8800  }
0x49: {  	[sflag:s3] =	ssyncset.done $0x0  }
0x4a: {  	[sflag:s3] =	ssyncadd.s32 $0xFFFF7800  }
0x4b: {  	_ =	swait.ge [sflag:s3], $0xBC00  }
0x4c: {  	s25 =	sld [smem:$0x7F2]  }
0x4d: {  	s26 =	rddreg [dreg:$0x7]  }
0x4e: {  	s0 =	sld [smem:$0x7F3]  }
0x4f: {  	s1 =	rddreg [dreg:$0x6]  }
0x50: {  	s11 =	sld [smem:$0x7F4]  }
0x51: {  	[sflag:s3] =	ssyncset.done $0x0;
	s12 =	rddreg [dreg:$0x9]  }
0x52: {  	s13 =	rddreg [dreg:$0x8];
	[sflag:s3] =	ssyncadd.s32 $0xFFFF4400  }
0x53: {  	[hbm4b:s1+s4] =	stream.strided.scatter [tilespmem:s11], [sflag:$0x1], $0x10000, s5, s4, $0x38;
	[tilespmem:$0x1FC00] =	vst v63  }
0x54: {  	s11 =	sld [smem:$0x7F5]  }
0x55: {  	[hbm4b:s26+s4] =	stream.strided.scatter [tilespmem:s0], [sflag:$0x1], $0x10000, s5, s4, $0x38;
	[tilespmem:$0x1FC00] =	vst v63  }
0x56: {  	s14 =	sld [smem:$0x7F6]  }
0x57: {  	[hbm4b:s13+s4] =	stream.strided.scatter [tilespmem:s11], [sflag:$0x1], $0x10000, s5, s4, $0x38;
	[tilespmem:$0x1FC00] =	vst v63  }
0x58: {  	s15 =	rddreg [dreg:$0xa]  }
0x59: {  	[hbm4b:s12+s4] =	stream.strided.scatter [tilespmem:s25], [sflag:$0x1], $0x10000, s5, s4, $0x38;
	[tilespmem:$0x1FC00] =	vst v63  }
0x5a: {  	s16 =	rddreg [dreg:$0xb]  }
0x5b: {  	[hbm4b:s15+s4] =	stream.strided.scatter [tilespmem:s14], [sflag:$0x1], $0x10000, s5, s4, $0x38;
	[tilespmem:$0x1FC00] =	vst v63  }
0x5c: {  	s17 =	simm.s32 $0xD000;
	s18 =	rddreg [dreg:$0xc]  }
0x5d: {  	[hbm4b:s16+s4] =	stream.strided.scatter [tilespmem:s17], [sflag:$0x1], $0x10000, s5, s4, $0x38;
	[tilespmem:$0x1FC00] =	vst v63  }
0x5e: {  	s19 =	simm.s32 $0xC800;
	s20 =	rddreg [dreg:$0xd]  }
0x5f: {  	[hbm4b:s18+s4] =	stream.strided.scatter [tilespmem:s19], [sflag:$0x1], $0x10000, s5, s4, $0x38;
	[tilespmem:$0x1FC00] =	vst v63  }
0x60: {  	s21 =	simm.s32 $0xC000;
	s22 =	rddreg [dreg:$0xe]  }
0x61: {  	[hbm4b:s20+s4] =	stream.strided.scatter [tilespmem:s21], [sflag:$0x1], $0x10000, s5, s4, $0x38;
	[tilespmem:$0x1FC00] =	vst v63  }
0x62: {  	s23 =	rddreg [dreg:$0xf]  }
0x63: {  	[hbm4b:s22+s4] =	stream.strided.scatter [tilespmem:s6], [sflag:$0x1], $0x10000, s5, s4, $0x38;
	[tilespmem:$0x1FC00] =	vst v63  }
0x64: {  	s24 =	simm.s32 $0xB000;
	s28 =	rddreg [dreg:$0x1e]  }
0x65: {  	[hbm4b:s23+s4] =	stream.strided.scatter [tilespmem:s24], [sflag:$0x1], $0x10000, s5, s4, $0x38;
	[tilespmem:$0x1FC00] =	vst v63  }
0x66: {  	s26 =	simm.s32 $0xA800;
	s25 =	rddreg [dreg:$0x10]  }
0x67: {  	[hbm4b:s25+s4] =	stream.strided.scatter [tilespmem:s26], [sflag:$0x1], $0x10000, s5, s4, $0x38;
	[tilespmem:$0x1FC00] =	vst v63  }
0x68: {  	s1 =	simm.s32 $0xA000;
	s14 =	rddreg [dreg:$0x11]  }
0x69: {  	[hbm4b:s14+s4] =	stream.strided.scatter [tilespmem:s1], [sflag:$0x1], $0x10000, s5, s4, $0x38;
	[tilespmem:$0x1FC00] =	vst v63  }
0x6a: {  	s13 =	simm.s32 $0x9800;
	s15 =	rddreg [dreg:$0x12]  }
0x6b: {  	[hbm4b:s15+s4] =	stream.strided.scatter [tilespmem:s13], [sflag:$0x1], $0x10000, s5, s4, $0x38;
	[tilespmem:$0x1FC00] =	vst v63  }
0x6c: {  	s16 =	rddreg [dreg:$0x13];
	s14 =	simm.s32 $0x9000  }
0x6d: {  	[hbm4b:s16+s4] =	stream.strided.scatter [tilespmem:s14], [sflag:$0x1], $0x10000, s5, s4, $0x38;
	[tilespmem:$0x1FC00] =	vst v63  }
0x6e: {  	s17 =	rddreg [dreg:$0x14];
	s15 =	simm.s32 $0x8800  }
0x6f: {  	[hbm4b:s17+s4] =	stream.strided.scatter [tilespmem:s15], [sflag:$0x1], $0x10000, s5, s4, $0x38;
	[tilespmem:$0x1FC00] =	vst v63  }
0x70: {  	s18 =	rddreg [dreg:$0x15];
	s16 =	simm.s32 $0x8000  }
0x71: {  	[hbm4b:s18+s4] =	stream.strided.scatter [tilespmem:s16], [sflag:$0x1], $0x10000, s5, s4, $0x38;
	[tilespmem:$0x1FC00] =	vst v63  }
0x72: {  	s19 =	rddreg [dreg:$0x16];
	s17 =	simm.s32 $0x7800  }
0x73: {  	[hbm4b:s19+s4] =	stream.strided.scatter [tilespmem:s17], [sflag:$0x1], $0x10000, s5, s4, $0x38;
	[tilespmem:$0x1FC00] =	vst v63  }
0x74: {  	s20 =	rddreg [dreg:$0x17];
	s18 =	simm.s32 $0x7000  }
0x75: {  	[hbm4b:s20+s4] =	stream.strided.scatter [tilespmem:s18], [sflag:$0x1], $0x10000, s5, s4, $0x38;
	[tilespmem:$0x1FC00] =	vst v63  }
0x76: {  	s21 =	rddreg [dreg:$0x18];
	s19 =	simm.s32 $0x6800  }
0x77: {  	[hbm4b:s21+s4] =	stream.strided.scatter [tilespmem:s19], [sflag:$0x1], $0x10000, s5, s4, $0x38;
	[tilespmem:$0x1FC00] =	vst v63  }
0x78: {  	s22 =	rddreg [dreg:$0x19];
	s20 =	simm.s32 $0x6000  }
0x79: {  	[hbm4b:s22+s4] =	stream.strided.scatter [tilespmem:s20], [sflag:$0x1], $0x10000, s5, s4, $0x38;
	[tilespmem:$0x1FC00] =	vst v63  }
0x7a: {  	s23 =	rddreg [dreg:$0x1a];
	s21 =	simm.s32 $0x5800  }
0x7b: {  	[hbm4b:s23+s4] =	stream.strided.scatter [tilespmem:s21], [sflag:$0x1], $0x10000, s5, s4, $0x38;
	[tilespmem:$0x1FC00] =	vst v63  }
0x7c: {  	s24 =	rddreg [dreg:$0x1b];
	s22 =	simm.s32 $0x5000  }
0x7d: {  	[hbm4b:s24+s4] =	stream.strided.scatter [tilespmem:s22], [sflag:$0x1], $0x10000, s5, s4, $0x38;
	[tilespmem:$0x1FC00] =	vst v63  }
0x7e: {  	s25 =	rddreg [dreg:$0x1c];
	s23 =	simm.s32 $0x4800  }
0x7f: {  	[hbm4b:s25+s4] =	stream.strided.scatter [tilespmem:s23], [sflag:$0x1], $0x10000, s5, s4, $0x38;
	[tilespmem:$0x1FC00] =	vst v63  }
0x80: {  	s26 =	rddreg [dreg:$0x1d];
	s24 =	simm.s32 $0x4000  }
0x81: {  	[hbm4b:s26+s4] =	stream.strided.scatter [tilespmem:s24], [sflag:$0x1], $0x10000, s5, s4, $0x38;
	[tilespmem:$0x1FC00] =	vst v63  }
0x82: {  	s29 =	rddreg [dreg:$0x1f];
	s25 =	simm.s32 $0x3800  }
0x83: {  	[hbm4b:s28+s4] =	stream.strided.scatter [tilespmem:s25], [sflag:$0x1], $0x10000, s5, s4, $0x38;
	[tilespmem:$0x1FC00] =	vst v63  }
0x84: {  	s30 =	sld [smem:$0x7F7];
	s26 =	simm.s32 $0x3000  }
0x85: {  	[hbm4b:s29+s4] =	stream.strided.scatter [tilespmem:s26], [sflag:$0x1], $0x10000, s5, s4, $0x38;
	[tilespmem:$0x1FC00] =	vst v63  }
0x86: {  	s31 =	sld [smem:$0x7F8];
	s28 =	simm.s32 $0x2800  }
0x87: {  	[hbm4b:s30+s4] =	stream.strided.scatter [tilespmem:s28], [sflag:$0x1], $0x10000, s5, s4, $0x38;
	[tilespmem:$0x1FC00] =	vst v63  }
0x88: {  	s7 =	sld [smem:$0x7F9];
	s29 =	simm.s32 $0x2000  }
0x89: {  	[hbm4b:s31+s4] =	stream.strided.scatter [tilespmem:s29], [sflag:$0x1], $0x10000, s5, s4, $0x38;
	[tilespmem:$0x1FC00] =	vst v63  }
0x8a: {  	s8 =	sld [smem:$0x7FA];
	s30 =	simm.s32 $0x1800  }
0x8b: {  	[hbm4b:s7+s4] =	stream.strided.scatter [tilespmem:s30], [sflag:$0x1], $0x10000, s5, s4, $0x38;
	[tilespmem:$0x1FC00] =	vst v63  }
0x8c: {  	s9 =	sld [smem:$0x7FB];
	s31 =	simm.s32 $0x1000  }
0x8d: {  	[hbm4b:s8+s4] =	stream.strided.scatter [tilespmem:s31], [sflag:$0x1], $0x10000, s5, s4, $0x38;
	[tilespmem:$0x1FC00] =	vst v63  }
0x8e: {  	s10 =	sld [smem:$0x7FC]  }
0x8f: {  	[hbm4b:s9+s4] =	stream.strided.scatter [tilespmem:s5], [sflag:$0x1], $0x10000, s5, s4, $0x38;
	[tilespmem:$0x1FC00] =	vst v63  }
0x90: {  	_ = 	snop  }
0x91: {  	[hbm4b:s10+s4] =	stream.strided.scatter [tilespmem:s2], [sflag:$0x1], $0x10000, s5, s4, $0x38;
	[tilespmem:$0x1FC00] =	vst v63  }
0x92: {  	_ =	swait.ge [sflag:s3], $0x10000  }
0x93: {  	[sflag:s3] =	ssyncset.done $0x0  }
0x94: {  	[sflag:s3] =	ssyncadd.s32 $0xFFFF0000  }
0x95: {  	_ =	swait.ge [sflag:s3], $0x10000  }
0x96: {  	[sflag:s3] =	ssyncset.done $0x0  }
0x97: {  	[sflag:s3] =	ssyncadd.s32 $0xFFFF0000  }
0x98: {  	_ =	swait.ge [sflag:s3], $0x10000  }
0x99: {  	[sflag:s3] =	ssyncset.done $0x0  }
0x9a: {  	[sflag:s3] =	ssyncadd.s32 $0xFFFF0000  }
0x9b: {  	_ =	swait.ge [sflag:s3], $0x10000  }
0x9c: {  	[sflag:s3] =	ssyncset.done $0x0  }
0x9d: {  	[sflag:s3] =	ssyncadd.s32 $0xFFFF0000  }
0x9e: {  	_ =	swait.ge [sflag:s3], $0x10000  }
0x9f: {  	[sflag:s3] =	ssyncset.done $0x0  }
0xa0: {  	[sflag:s3] =	ssyncadd.s32 $0xFFFF0000  }
0xa1: {  	_ =	swait.ge [sflag:s3], $0x10000  }
0xa2: {  	[sflag:s3] =	ssyncset.done $0x0  }
0xa3: {  	[sflag:s3] =	ssyncadd.s32 $0xFFFF0000  }
0xa4: {  	_ =	swait.ge [sflag:s3], $0x10000  }
0xa5: {  	[sflag:s3] =	ssyncset.done $0x0  }
0xa6: {  	[sflag:s3] =	ssyncadd.s32 $0xFFFF0000  }
0xa7: {  	_ =	swait.ge [sflag:s3], $0x10000  }
0xa8: {  	[sflag:s3] =	ssyncset.done $0x0  }
0xa9: {  	[sflag:s3] =	ssyncadd.s32 $0xFFFF0000  }
0xaa: {  	_ =	swait.ge [sflag:s3], $0x10000  }
0xab: {  	[sflag:s3] =	ssyncset.done $0x0  }
0xac: {  	[sflag:s3] =	ssyncadd.s32 $0xFFFF0000  }
0xad: {  	_ =	swait.ge [sflag:s3], $0x10000  }
0xae: {  	[sflag:s3] =	ssyncset.done $0x0  }
0xaf: {  	[sflag:s3] =	ssyncadd.s32 $0xFFFF0000  }
0xb0: {  	_ =	swait.ge [sflag:s3], $0x10000  }
0xb1: {  	[sflag:s3] =	ssyncset.done $0x0  }
0xb2: {  	[sflag:s3] =	ssyncadd.s32 $0xFFFF0000  }
0xb3: {  	_ =	swait.ge [sflag:s3], $0x10000  }
0xb4: {  	[sflag:s3] =	ssyncset.done $0x0  }
0xb5: {  	[sflag:s3] =	ssyncadd.s32 $0xFFFF0000  }
0xb6: {  	_ =	swait.ge [sflag:s3], $0x10000  }
0xb7: {  	[sflag:s3] =	ssyncset.done $0x0  }
0xb8: {  	[sflag:s3] =	ssyncadd.s32 $0xFFFF0000  }
0xb9: {  	_ =	swait.ge [sflag:s3], $0x10000  }
0xba: {  	[sflag:s3] =	ssyncset.done $0x0  }
0xbb: {  	[sflag:s3] =	ssyncadd.s32 $0xFFFF0000  }
0xbc: {  	_ =	swait.ge [sflag:s3], $0x10000  }
0xbd: {  	[sflag:s3] =	ssyncset.done $0x0  }
0xbe: {  	[sflag:s3] =	ssyncadd.s32 $0xFFFF0000  }
0xbf: {  	_ =	swait.ge [sflag:s3], $0x10000  }
0xc0: {  	[sflag:s3] =	ssyncset.done $0x0  }
0xc1: {  	[sflag:s3] =	ssyncadd.s32 $0xFFFF0000  }
0xc2: {  	_ =	swait.ge [sflag:s3], $0x10000  }
0xc3: {  	[sflag:s3] =	ssyncset.done $0x0  }
0xc4: {  	[sflag:s3] =	ssyncadd.s32 $0xFFFF0000  }
0xc5: {  	_ =	swait.ge [sflag:s3], $0x10000  }
0xc6: {  	[sflag:s3] =	ssyncset.done $0x0  }
0xc7: {  	[sflag:s3] =	ssyncadd.s32 $0xFFFF0000  }
0xc8: {  	_ =	swait.ge [sflag:s3], $0x10000  }
0xc9: {  	s11 =	sld [smem:$0x7FD];
	_ =	sdelay $0x2  }
0xca: {  	s0 =	ssub.s32 $0x2, s11  }
0xcb: {  	s12 =	sshrl.u32 s0, $0x1  }
0xcc: {  	[sflag:s3] =	ssyncset.done $0x0;
	s0 =	ssub.s32 s0, s12  }
0xcd: {  	[sflag:s3] =	ssyncadd.s32 $0xFFFF0000;
	s0 =	smax.u32 s0, $0x1  }
0xce: {  	_ =	swait.ge [sflag:s3], $0x10000;
	p0 =	sne.s32 s0, $0x1  }
.Ltmp0:
0xcf: {  	[sflag:s3] =	ssyncset.done $0x0;
	(pc) =	sbr.rel @!p0 .LBB2_2-.Ltmp0, $4  }
0xd0: {  	[sflag:s3] =	ssyncadd.s32 $0xFFFF0000  }
0xd1: {  	_ =	swait.ge [sflag:s3], $0x10000  }
0xd2: {  	[sflag:s3] =	ssyncset.done $0x0  }
0xd3: {  	s1 =	sadd.s32 $0xFFFFFFFF, s0;
	[sflag:s3] =	ssyncadd.s32 $0xFFFF0000  }
.LBB2_1:
0xd4: {  	_ =	swait.ge [sflag:s3], $0x10000  }
0xd5: {  	[sflag:s3] =	ssyncset.done $0x0  }
0xd6: {  	[sflag:s3] =	ssyncadd.s32 $0xFFFF0000  }
0xd7: {  	_ =	swait.ge [sflag:s3], $0x10000  }
0xd8: {  	[sflag:s3] =	ssyncset.done $0x0  }
0xd9: {  	[sflag:s3] =	ssyncadd.s32 $0xFFFF0000  }
0xda: {  	_ =	swait.ge [sflag:s3], $0x10000  }
0xdb: {  	[sflag:s3] =	ssyncset.done $0x0  }
0xdc: {  	[sflag:s3] =	ssyncadd.s32 $0xFFFF0000  }
0xdd: {  	_ =	swait.ge [sflag:s3], $0x10000  }
0xde: {  	[sflag:s3] =	ssyncset.done $0x0  }
0xdf: {  	[sflag:s3] =	ssyncadd.s32 $0xFFFF0000  }
0xe0: {  	_ =	swait.ge [sflag:s3], $0x10000  }
0xe1: {  	[sflag:s3] =	ssyncset.done $0x0  }
0xe2: {  	[sflag:s3] =	ssyncadd.s32 $0xFFFF0000  }
0xe3: {  	_ =	swait.ge [sflag:s3], $0x10000  }
0xe4: {  	[sflag:s3] =	ssyncset.done $0x0  }
0xe5: {  	[sflag:s3] =	ssyncadd.s32 $0xFFFF0000  }
0xe6: {  	_ =	swait.ge [sflag:s3], $0x10000  }
0xe7: {  	[sflag:s3] =	ssyncset.done $0x0  }
0xe8: {  	[sflag:s3] =	ssyncadd.s32 $0xFFFF0000  }
0xe9: {  	_ =	swait.ge [sflag:s3], $0x10000  }
0xea: {  	[sflag:s3] =	ssyncset.done $0x0  }
0xeb: {  	[sflag:s3] =	ssyncadd.s32 $0xFFFF0000  }
0xec: {  	_ =	swait.ge [sflag:s3], $0x10000  }
0xed: {  	[sflag:s3] =	ssyncset.done $0x0  }
0xee: {  	[sflag:s3] =	ssyncadd.s32 $0xFFFF0000  }
0xef: {  	_ =	swait.ge [sflag:s3], $0x10000  }
0xf0: {  	[sflag:s3] =	ssyncset.done $0x0  }
0xf1: {  	[sflag:s3] =	ssyncadd.s32 $0xFFFF0000  }
0xf2: {  	_ =	swait.ge [sflag:s3], $0x10000  }
0xf3: {  	s0 =	rddreg [dreg:$0x3];
	[sflag:s3] =	ssyncset.done $0x0  }
0xf4: {  	s7 =	sld [smem:$0x7F1];
	[sflag:s3] =	ssyncadd.s32 $0xFFFF0000  }
0xf5: {  	[tilespmem:s2], [sflag:$0x1] =	stream.strided.gather [hbm4b:s0+s4], $0xB800, s5, s4, $0x38;
	[tilespmem:$0x1FC00] =	vst v63  }
0xf6: {  	s8 =	rddreg [dreg:$0x4]  }
0xf7: {  	[tilespmem:s6], [sflag:$0x1] =	stream.strided.gather [hbm4b:s8+s4], $0x8800, s5, s4, $0x38;
	[tilespmem:$0x1FC00] =	vst v63  }
0xf8: {  	s9 =	rddreg [dreg:$0x5]  }
0xf9: {  	[tilespmem:s7], [sflag:$0x1] =	stream.strided.gather [hbm4b:s9+s4], $0xBC00, s5, s4, $0x38;
	[tilespmem:$0x1FC00] =	vst v63  }
0xfa: {  	_ =	swait.ge [sflag:s3], $0xB800  }
0xfb: {  	[sflag:s3] =	ssyncset.done $0x0  }
0xfc: {  	[sflag:s3] =	ssyncadd.s32 $0xFFFF4800  }
0xfd: {  	_ =	swait.ge [sflag:s3], $0x8800  }
0xfe: {  	[sflag:s3] =	ssyncset.done $0x0  }
0xff: {  	[sflag:s3] =	ssyncadd.s32 $0xFFFF7800  }
0x100: {  	_ =	swait.ge [sflag:s3], $0xBC00  }
0x101: {  	s0 =	sld [smem:$0x7F2]  }
0x102: {  	s7 =	rddreg [dreg:$0x7]  }
0x103: {  	s8 =	sld [smem:$0x7F3]  }
0x104: {  	s9 =	rddreg [dreg:$0x6]  }
0x105: {  	s10 =	sld [smem:$0x7F4]  }
0x106: {  	[sflag:s3] =	ssyncset.done $0x0;
	s11 =	rddreg [dreg:$0x9]  }
0x107: {  	s12 =	rddreg [dreg:$0x8];
	[sflag:s3] =	ssyncadd.s32 $0xFFFF4400  }
0x108: {  	[hbm4b:s9+s4] =	stream.strided.scatter [tilespmem:s10], [sflag:$0x1], $0x10000, s5, s4, $0x38;
	[tilespmem:$0x1FC00] =	vst v63  }
0x109: {  	s10 =	sld [smem:$0x7F5]  }
0x10a: {  	[hbm4b:s7+s4] =	stream.strided.scatter [tilespmem:s8], [sflag:$0x1], $0x10000, s5, s4, $0x38;
	[tilespmem:$0x1FC00] =	vst v63  }
0x10b: {  	s8 =	sld [smem:$0x7F6]  }
0x10c: {  	[hbm4b:s12+s4] =	stream.strided.scatter [tilespmem:s10], [sflag:$0x1], $0x10000, s5, s4, $0x38;
	[tilespmem:$0x1FC00] =	vst v63  }
0x10d: {  	s10 =	rddreg [dreg:$0xa]  }
0x10e: {  	[hbm4b:s11+s4] =	stream.strided.scatter [tilespmem:s0], [sflag:$0x1], $0x10000, s5, s4, $0x38;
	[tilespmem:$0x1FC00] =	vst v63  }
0x10f: {  	s12 =	rddreg [dreg:$0xc]  }
0x110: {  	[hbm4b:s10+s4] =	stream.strided.scatter [tilespmem:s8], [sflag:$0x1], $0x10000, s5, s4, $0x38;
	[tilespmem:$0x1FC00] =	vst v63  }
0x111: {  	s9 =	simm.s32 $0xD000;
	s11 =	rddreg [dreg:$0xb]  }
0x112: {  	[hbm4b:s11+s4] =	stream.strided.scatter [tilespmem:s9], [sflag:$0x1], $0x10000, s5, s4, $0x38;
	[tilespmem:$0x1FC00] =	vst v63  }
0x113: {  	s10 =	rddreg [dreg:$0xd];
	s11 =	simm.s32 $0xC800  }
0x114: {  	[hbm4b:s12+s4] =	stream.strided.scatter [tilespmem:s11], [sflag:$0x1], $0x10000, s5, s4, $0x38;
	[tilespmem:$0x1FC00] =	vst v63  }
0x115: {  	s8 =	rddreg [dreg:$0x17];
	s9 =	simm.s32 $0xC000  }
0x116: {  	[hbm4b:s10+s4] =	stream.strided.scatter [tilespmem:s9], [sflag:$0x1], $0x10000, s5, s4, $0x38;
	[tilespmem:$0x1FC00] =	vst v63  }
0x117: {  	s12 =	rddreg [dreg:$0xe]  }
0x118: {  	[hbm4b:s12+s4] =	stream.strided.scatter [tilespmem:s6], [sflag:$0x1], $0x10000, s5, s4, $0x38;
	[tilespmem:$0x1FC00] =	vst v63  }
0x119: {  	s10 =	rddreg [dreg:$0xf];
	s12 =	simm.s32 $0xB000  }
0x11a: {  	[hbm4b:s10+s4] =	stream.strided.scatter [tilespmem:s12], [sflag:$0x1], $0x10000, s5, s4, $0x38;
	[tilespmem:$0x1FC00] =	vst v63  }
0x11b: {  	s11 =	rddreg [dreg:$0x10];
	s10 =	simm.s32 $0xA800  }
0x11c: {  	[hbm4b:s11+s4] =	stream.strided.scatter [tilespmem:s10], [sflag:$0x1], $0x10000, s5, s4, $0x38;
	[tilespmem:$0x1FC00] =	vst v63  }
0x11d: {  	s9 =	rddreg [dreg:$0x11];
	s12 =	simm.s32 $0xA000  }
0x11e: {  	[hbm4b:s9+s4] =	stream.strided.scatter [tilespmem:s12], [sflag:$0x1], $0x10000, s5, s4, $0x38;
	[tilespmem:$0x1FC00] =	vst v63  }
0x11f: {  	s11 =	rddreg [dreg:$0x12]  }
0x120: {  	[hbm4b:s11+s4] =	stream.strided.scatter [tilespmem:s13], [sflag:$0x1], $0x10000, s5, s4, $0x38;
	[tilespmem:$0x1FC00] =	vst v63  }
0x121: {  	s9 =	rddreg [dreg:$0x13]  }
0x122: {  	[hbm4b:s9+s4] =	stream.strided.scatter [tilespmem:s14], [sflag:$0x1], $0x10000, s5, s4, $0x38;
	[tilespmem:$0x1FC00] =	vst v63  }
0x123: {  	s10 =	rddreg [dreg:$0x14]  }
0x124: {  	[hbm4b:s10+s4] =	stream.strided.scatter [tilespmem:s15], [sflag:$0x1], $0x10000, s5, s4, $0x38;
	[tilespmem:$0x1FC00] =	vst v63  }
0x125: {  	s11 =	rddreg [dreg:$0x15]  }
0x126: {  	[hbm4b:s11+s4] =	stream.strided.scatter [tilespmem:s16], [sflag:$0x1], $0x10000, s5, s4, $0x38;
	[tilespmem:$0x1FC00] =	vst v63  }
0x127: {  	s12 =	rddreg [dreg:$0x16]  }
0x128: {  	[hbm4b:s12+s4] =	stream.strided.scatter [tilespmem:s17], [sflag:$0x1], $0x10000, s5, s4, $0x38;
	[tilespmem:$0x1FC00] =	vst v63  }
0x129: {  	s9 =	rddreg [dreg:$0x18]  }
0x12a: {  	[hbm4b:s8+s4] =	stream.strided.scatter [tilespmem:s18], [sflag:$0x1], $0x10000, s5, s4, $0x38;
	[tilespmem:$0x1FC00] =	vst v63  }
0x12b: {  	s10 =	rddreg [dreg:$0x19]  }
0x12c: {  	[hbm4b:s9+s4] =	stream.strided.scatter [tilespmem:s19], [sflag:$0x1], $0x10000, s5, s4, $0x38;
	[tilespmem:$0x1FC00] =	vst v63  }
0x12d: {  	s11 =	rddreg [dreg:$0x1a]  }
0x12e: {  	[hbm4b:s10+s4] =	stream.strided.scatter [tilespmem:s20], [sflag:$0x1], $0x10000, s5, s4, $0x38;
	[tilespmem:$0x1FC00] =	vst v63  }
0x12f: {  	s12 =	rddreg [dreg:$0x1b]  }
0x130: {  	[hbm4b:s11+s4] =	stream.strided.scatter [tilespmem:s21], [sflag:$0x1], $0x10000, s5, s4, $0x38;
	[tilespmem:$0x1FC00] =	vst v63  }
0x131: {  	s8 =	rddreg [dreg:$0x1c]  }
0x132: {  	[hbm4b:s12+s4] =	stream.strided.scatter [tilespmem:s22], [sflag:$0x1], $0x10000, s5, s4, $0x38;
	[tilespmem:$0x1FC00] =	vst v63  }
0x133: {  	s9 =	rddreg [dreg:$0x1d]  }
0x134: {  	[hbm4b:s8+s4] =	stream.strided.scatter [tilespmem:s23], [sflag:$0x1], $0x10000, s5, s4, $0x38;
	[tilespmem:$0x1FC00] =	vst v63  }
0x135: {  	s10 =	rddreg [dreg:$0x1e]  }
0x136: {  	[hbm4b:s9+s4] =	stream.strided.scatter [tilespmem:s24], [sflag:$0x1], $0x10000, s5, s4, $0x38;
	[tilespmem:$0x1FC00] =	vst v63  }
0x137: {  	s11 =	rddreg [dreg:$0x1f]  }
0x138: {  	[hbm4b:s10+s4] =	stream.strided.scatter [tilespmem:s25], [sflag:$0x1], $0x10000, s5, s4, $0x38;
	[tilespmem:$0x1FC00] =	vst v63  }
0x139: {  	s12 =	sld [smem:$0x7F7]  }
0x13a: {  	[hbm4b:s11+s4] =	stream.strided.scatter [tilespmem:s26], [sflag:$0x1], $0x10000, s5, s4, $0x38;
	[tilespmem:$0x1FC00] =	vst v63  }
0x13b: {  	s8 =	sld [smem:$0x7F8]  }
0x13c: {  	[hbm4b:s12+s4] =	stream.strided.scatter [tilespmem:s28], [sflag:$0x1], $0x10000, s5, s4, $0x38;
	[tilespmem:$0x1FC00] =	vst v63  }
0x13d: {  	s9 =	sld [smem:$0x7F9]  }
0x13e: {  	[hbm4b:s8+s4] =	stream.strided.scatter [tilespmem:s29], [sflag:$0x1], $0x10000, s5, s4, $0x38;
	[tilespmem:$0x1FC00] =	vst v63  }
0x13f: {  	s10 =	sld [smem:$0x7FA]  }
0x140: {  	[hbm4b:s9+s4] =	stream.strided.scatter [tilespmem:s30], [sflag:$0x1], $0x10000, s5, s4, $0x38;
	[tilespmem:$0x1FC00] =	vst v63  }
0x141: {  	s11 =	sld [smem:$0x7FB]  }
0x142: {  	[hbm4b:s10+s4] =	stream.strided.scatter [tilespmem:s31], [sflag:$0x1], $0x10000, s5, s4, $0x38;
	[tilespmem:$0x1FC00] =	vst v63  }
0x143: {  	s12 =	sld [smem:$0x7FC]  }
0x144: {  	[hbm4b:s11+s4] =	stream.strided.scatter [tilespmem:s5], [sflag:$0x1], $0x10000, s5, s4, $0x38;
	[tilespmem:$0x1FC00] =	vst v63  }
0x145: {  	_ = 	snop  }
0x146: {  	[hbm4b:s12+s4] =	stream.strided.scatter [tilespmem:s2], [sflag:$0x1], $0x10000, s5, s4, $0x38;
	[tilespmem:$0x1FC00] =	vst v63  }
0x147: {  	_ =	swait.ge [sflag:s3], $0x10000  }
0x148: {  	[sflag:s3] =	ssyncset.done $0x0  }
0x149: {  	[sflag:s3] =	ssyncadd.s32 $0xFFFF0000  }
0x14a: {  	_ =	swait.ge [sflag:s3], $0x10000  }
0x14b: {  	[sflag:s3] =	ssyncset.done $0x0  }
0x14c: {  	[sflag:s3] =	ssyncadd.s32 $0xFFFF0000  }
0x14d: {  	_ =	swait.ge [sflag:s3], $0x10000  }
0x14e: {  	[sflag:s3] =	ssyncset.done $0x0  }
0x14f: {  	[sflag:s3] =	ssyncadd.s32 $0xFFFF0000  }
0x150: {  	_ =	swait.ge [sflag:s3], $0x10000  }
0x151: {  	[sflag:s3] =	ssyncset.done $0x0  }
0x152: {  	[sflag:s3] =	ssyncadd.s32 $0xFFFF0000  }
0x153: {  	_ =	swait.ge [sflag:s3], $0x10000  }
0x154: {  	[sflag:s3] =	ssyncset.done $0x0  }
0x155: {  	[sflag:s3] =	ssyncadd.s32 $0xFFFF0000  }
0x156: {  	_ =	swait.ge [sflag:s3], $0x10000  }
0x157: {  	[sflag:s3] =	ssyncset.done $0x0  }
0x158: {  	[sflag:s3] =	ssyncadd.s32 $0xFFFF0000  }
0x159: {  	_ =	swait.ge [sflag:s3], $0x10000  }
0x15a: {  	[sflag:s3] =	ssyncset.done $0x0  }
0x15b: {  	[sflag:s3] =	ssyncadd.s32 $0xFFFF0000  }
0x15c: {  	_ =	swait.ge [sflag:s3], $0x10000  }
0x15d: {  	[sflag:s3] =	ssyncset.done $0x0  }
0x15e: {  	[sflag:s3] =	ssyncadd.s32 $0xFFFF0000  }
0x15f: {  	_ =	swait.ge [sflag:s3], $0x10000  }
0x160: {  	[sflag:s3] =	ssyncset.done $0x0  }
0x161: {  	[sflag:s3] =	ssyncadd.s32 $0xFFFF0000  }
0x162: {  	_ =	swait.ge [sflag:s3], $0x10000  }
0x163: {  	[sflag:s3] =	ssyncset.done $0x0  }
0x164: {  	[sflag:s3] =	ssyncadd.s32 $0xFFFF0000  }
0x165: {  	_ =	swait.ge [sflag:s3], $0x10000  }
0x166: {  	[sflag:s3] =	ssyncset.done $0x0  }
0x167: {  	[sflag:s3] =	ssyncadd.s32 $0xFFFF0000  }
0x168: {  	_ =	swait.ge [sflag:s3], $0x10000  }
0x169: {  	[sflag:s3] =	ssyncset.done $0x0  }
0x16a: {  	[sflag:s3] =	ssyncadd.s32 $0xFFFF0000  }
0x16b: {  	_ =	swait.ge [sflag:s3], $0x10000  }
0x16c: {  	[sflag:s3] =	ssyncset.done $0x0  }
0x16d: {  	[sflag:s3] =	ssyncadd.s32 $0xFFFF0000  }
0x16e: {  	_ =	swait.ge [sflag:s3], $0x10000  }
0x16f: {  	[sflag:s3] =	ssyncset.done $0x0  }
0x170: {  	[sflag:s3] =	ssyncadd.s32 $0xFFFF0000  }
0x171: {  	_ =	swait.ge [sflag:s3], $0x10000  }
0x172: {  	[sflag:s3] =	ssyncset.done $0x0  }
0x173: {  	[sflag:s3] =	ssyncadd.s32 $0xFFFF0000  }
0x174: {  	_ =	swait.ge [sflag:s3], $0x10000  }
0x175: {  	[sflag:s3] =	ssyncset.done $0x0  }
0x176: {  	[sflag:s3] =	ssyncadd.s32 $0xFFFF0000  }
0x177: {  	_ =	swait.ge [sflag:s3], $0x10000  }
0x178: {  	[sflag:s3] =	ssyncset.done $0x0  }
0x179: {  	[sflag:s3] =	ssyncadd.s32 $0xFFFF0000  }
0x17a: {  	_ =	swait.ge [sflag:s3], $0x10000  }
0x17b: {  	[sflag:s3] =	ssyncset.done $0x0  }
0x17c: {  	[sflag:s3] =	ssyncadd.s32 $0xFFFF0000  }
0x17d: {  	_ =	swait.ge [sflag:s3], $0x10000  }
0x17e: {  	[sflag:s3] =	ssyncset.done $0x0  }
0x17f: {  	[sflag:s3] =	ssyncadd.s32 $0xFFFF0000  }
0x180: {  	p0 =	sne.s32 s1, $0x1;
	_ =	swait.ge [sflag:s3], $0x10000  }
.Ltmp1:
0x181: {  	[sflag:s3] =	ssyncset.done $0x0;
	(pc) =	sbr.rel @p0 .LBB2_1-.Ltmp1, $4  }
0x182: {  	[sflag:s3] =	ssyncadd.s32 $0xFFFF0000  }
0x183: {  	_ =	swait.ge [sflag:s3], $0x10000  }
0x184: {  	[sflag:s3] =	ssyncset.done $0x0  }
0x185: {  	s1 =	sadd.s32 $0xFFFFFFFF, s1;
	[sflag:s3] =	ssyncadd.s32 $0xFFFF0000  }
.LBB2_2:
0x186: {  	_ =	swait.ge [sflag:s3], $0x10000  }
0x187: {  	[sflag:s3] =	ssyncset.done $0x0  }
0x188: {  	[sflag:s3] =	ssyncadd.s32 $0xFFFF0000  }
0x189: {  	_ =	swait.ge [sflag:s3], $0x10000  }
0x18a: {  	[sflag:s3] =	ssyncset.done $0x0  }
0x18b: {  	[sflag:s3] =	ssyncadd.s32 $0xFFFF0000  }
0x18c: {  	_ =	swait.ge [sflag:s3], $0x10000  }
0x18d: {  	[sflag:s3] =	ssyncset.done $0x0  }
0x18e: {  	[sflag:s3] =	ssyncadd.s32 $0xFFFF0000  }
0x18f: {  	_ =	swait.ge [sflag:s3], $0x10000  }
0x190: {  	[sflag:s3] =	ssyncset.done $0x0  }
0x191: {  	[sflag:s3] =	ssyncadd.s32 $0xFFFF0000  }
0x192: {  	_ =	swait.ge [sflag:s3], $0x10000  }
0x193: {  	[sflag:s3] =	ssyncset.done $0x0  }
0x194: {  	[sflag:s3] =	ssyncadd.s32 $0xFFFF0000  }
0x195: {  	_ =	swait.ge [sflag:s3], $0x10000  }
0x196: {  	[sflag:s3] =	ssyncset.done $0x0  }
0x197: {  	[sflag:s3] =	ssyncadd.s32 $0xFFFF0000  }
0x198: {  	_ =	swait.ge [sflag:s3], $0x10000  }
0x199: {  	[sflag:s3] =	ssyncset.done $0x0  }
0x19a: {  	[sflag:s3] =	ssyncadd.s32 $0xFFFF0000  }
0x19b: {  	_ =	swait.ge [sflag:s3], $0x10000  }
0x19c: {  	[sflag:s3] =	ssyncset.done $0x0  }
0x19d: {  	[sflag:s3] =	ssyncadd.s32 $0xFFFF0000  }
0x19e: {  	_ =	swait.ge [sflag:s3], $0x10000  }
0x19f: {  	[sflag:s3] =	ssyncset.done $0x0  }
0x1a0: {  	[sflag:s3] =	ssyncadd.s32 $0xFFFF0000  }
0x1a1: {  	_ =	swait.ge [sflag:s3], $0x10000  }
0x1a2: {  	[sflag:s3] =	ssyncset.done $0x0  }
0x1a3: {  	[sflag:s3] =	ssyncadd.s32 $0xFFFF0000  }
0x1a4: {  	_ =	swait.ge [sflag:s3], $0x10000  }
0x1a5: {  	[sflag:s3] =	ssyncset.done $0x0  }
0x1a6: {  	[sflag:s3] =	ssyncadd.s32 $0xFFFF0000  }
0x1a7: {  	_ =	sfence.sel $0x180000  }
0x1a8: {  	[bflag:$0x0] =	sbarrier.arrive $0xFFFF  }
0x1a9: {  	_ =	strace $0x90000047  }
0x1aa: {  	s0 =	stileid.u32;
	[bflag:$0x2] =	sbarrier.arrive $0xFFFF  }
0x1ab: {  	p0 =	sne.s32 s0, $0x0;
	s0 =	rddreg [dreg:$0x2]  }
0x1ac: {  	s0 =	sadd.s32 @!p0 $0x100000, s0  }
0x1ad: {  	[sflag:s0] =	ssyncadd.tile.s32 @!p0 $0x1;
	_ =	shalt  }
.Lfunc_end2:
_tile_overlayer_lowered:
.L_overlay_start_2:
0x1ae: {  	(tag) =	ssettag $0x2  }
0x1af: {  	s0 =	rddreg [dreg:$0x0];
	s2 =	stileid.u32  }
0x1b0: {  	s1 =	rddreg [dreg:$0x1];
	p0 =	sne.s32 s2, $0x0  }
0x1b1: {  	s3 =	rddreg [dreg:$0x2];
	[bflag:$0x3] =	sbarrier.arrive $0xFFFF;
	s2 =	simm.s32 @!p0 $0x1C02  }
0x1b2: {  	[timem:s3], [sflag:s2] =	dma.local @!p0 [hbm:s0], s1  }
0x1b3: {  	s0 =	simm.s32 @!p0 $0x2  }
0x1b4: {  	_ =	swait.ge @!p0 [sflag:s0], s1  }
0x1b5: {  	s1 =	ssub.s32 @!p0 $0x0, s1;
	[sflag:s0] =	ssyncset.done @!p0 $0x0  }
0x1b6: {  	[sflag:s0] =	ssyncadd.s32 @!p0 s1  }
0x1b7: {  	[bflag:$0x3] =	sbarrier.arrive $0xFFFF  }
0x1b8: {  	_ =	shalt  }

</sc_bundles>
